<compile_context>
chip_gen: v7x
topology: tpu7x:2x2x1
jax: 0.10.2.dev20260603
libtpu: 0.0.44.dev20260713+nightly
codegen_flags: <defaults>
</compile_context>

<pallas_src>
import functools
import math

import jax
import jax.numpy as jnp
from jax import lax
from jax.experimental import pallas as pl
from jax.experimental.pallas import tpu as pltpu
from jax.experimental.pallas import tpu_sc as plsc

_N = 16384
_F = 26
_NQ = 256
_TOTAL = _N * _F
_NW = 32
_CHUNK = _TOTAL // _NW
_VREGS = _CHUNK // 16
_COLS = _N // _NW
_STRIDE = _NQ + 1

_SQRT2 = math.sqrt(2.0)
_LN2 = 0.6931471805599453
_C_CENTRAL = tuple(c * _SQRT2 for c in (
    2.81022636e-08, 3.43273939e-07, -3.5233877e-06, -4.39150654e-06,
    0.00021858087, -0.00125372503, -0.00417768164, 0.246640727, 1.50140941))
_C_TAIL = tuple(c * _SQRT2 for c in (
    -0.000200214257, 0.000100950558, 0.00134934322, -0.00367342844,
    0.00573950773, -0.0076224613, 0.00943887047, 1.00167406, 2.83297682))
_C_NEGLOG = (1.720806112e-02, -8.172680837e-02, 1.887826736e-01,
             -3.145905354e-01, 4.969779112e-01, -9.997924357e-01,
             -3.507552053e-06)


def _horner(coeffs, v):
    p = jnp.full((16,), coeffs[0], dtype=jnp.float32)
    for c in coeffs[1:]:
        p = p * v + jnp.float32(c)
    return p


_mesh = plsc.VectorSubcoreMesh(core_axis_name="c", subcore_axis_name="s")


@functools.partial(
    pl.kernel,
    out_type=jax.ShapeDtypeStruct((_F, _N), jnp.float32),
    mesh=_mesh,
    scratch_types=[
        pltpu.VMEM((_F * _STRIDE,), jnp.float32),
        pltpu.VMEM((_F, _COLS), jnp.float32),
    ],
    compiler_params=pltpu.CompilerParams(needs_layout_passes=False),
)
def _qp_sc(x_hbm, qt_hbm, out_hbm, q_v, x_v):
    cid = lax.axis_index("c")
    sid = lax.axis_index("s")
    wid = sid * 2 + cid
    c0 = wid * _COLS
    pltpu.sync_copy(qt_hbm, q_v)
    pltpu.sync_copy(x_hbm.at[:, pl.ds(c0, _COLS)], x_v)

    lanes0 = lax.iota(jnp.int32, 16)

    @plsc.parallel_loop(0, _VREGS, unroll=4)
    def _body(i):
        kk = i * 16 + lanes0
        colb = kk // _F
        feat = kk - colb * _F
        col = (colb + feat) & (_COLS - 1)
        xv = plsc.load_gather(x_v, [feat, col])
        fb1 = feat * _STRIDE - 1

        gpos = fb1
        for step in (128, 64, 32, 16, 8, 4, 2, 1):
            cand = gpos + step
            v = plsc.load_gather(q_v, [cand])
            gpos = jnp.where(v < xv, cand, gpos)

        g0 = jnp.clip(gpos, fb1 + 1, fb1 + 255)
        idxf = (g0 - (fb1 + 1)).astype(jnp.float32)
        last = plsc.load_gather(q_v, [g0])
        nxt = plsc.load_gather(q_v, [g0 + 1])
        diff = nxt - last
        dz = diff == 0.0
        safe = jnp.where(dz, jnp.float32(1.0), diff)
        interp = jnp.where(dz, jnp.float32(0.5), (xv - last) / safe)
        y = jnp.clip((idxf + interp) * jnp.float32(1.0 / _NQ), 0.0, 1.0)

        ys = jnp.clip(y, jnp.float32(1e-6), jnp.float32(1.0 - 1e-6))
        t = jnp.float32(2.0) * ys - jnp.float32(1.0)
        u = (jnp.float32(1.0) - t) * (jnp.float32(1.0) + t)

        bits = plsc.bitcast(u, jnp.int32)
        e = (bits >> 23) - 127
        z = plsc.bitcast((bits & 0x007FFFFF) | 0x3F800000, jnp.float32) - \
            jnp.float32(1.0)
        w = e.astype(jnp.float32) * jnp.float32(-_LN2) + _horner(_C_NEGLOG, z)

        p1 = _horner(_C_CENTRAL, w - jnp.float32(2.5))

        wp = jnp.maximum(w, jnp.float32(1e-10))
        rs = plsc.bitcast(0x5F3759DF - (plsc.bitcast(wp, jnp.int32) >> 1),
                          jnp.float32)
        rs = rs * (jnp.float32(1.5) - jnp.float32(0.5) * wp * rs * rs)
        rs = rs * (jnp.float32(1.5) - jnp.float32(0.5) * wp * rs * rs)
        p2 = _horner(_C_TAIL, wp * rs - jnp.float32(3.0))

        p = jnp.where(w < jnp.float32(5.0), p1, p2)
        g = p * t
        out = jnp.where(y <= jnp.float32(0.0), jnp.float32(-100.0),
                        jnp.where(y >= jnp.float32(1.0), jnp.float32(100.0), g))
        plsc.store_scatter(x_v, [feat, col], out)

    pltpu.sync_copy(x_v, out_hbm.at[:, pl.ds(c0, _COLS)])


def kernel(x, quantiles):
    qt = jnp.pad(quantiles.T, ((0, 0), (0, 1))).reshape(-1)
    return _qp_sc(x.T, qt).T

# --- scband reference (transcript-rebuilt; emitter-appended) ---
"""Pipeline reference for scband-quantile-preprocessing-49589692400090 (READ-ONLY COPY).

The authoritative reference and input builder live on the scoring server;
editing this copy changes nothing except your own understanding.
"""

import jax, jax.numpy as jnp
import numpy as np
import math

N = 16384
F = 26
N_QUANTILES = 256

def setup_inputs(seed: int = 0) -> dict:
    key = jax.random.key(seed)
    k1, k2 = jax.random.split(key)
    x = jax.random.normal(k1, (N, F), dtype=jnp.float32)
    # simulate .fit() on a training batch: quantiles buffer [n_quantiles, F]
    x_fit = jax.random.normal(k2, (N, F), dtype=jnp.float32)
    quantiles = jnp.quantile(x_fit, jnp.linspace(0.0, 1.0, N_QUANTILES), axis=0).astype(jnp.float32)
    return {"x": x, "quantiles": quantiles}

def reference(x, quantiles):
    n_quantiles = quantiles.shape[0]
    # (x_values[None,:,:] < x[:,None,:]).sum(dim=1) -> bucket index per element
    cnt = (quantiles[None, :, :] < x[:, None, :]).sum(axis=1)
    idx = jnp.clip(cnt, 1, n_quantiles - 1) - 1
    # torch gather(dim=0) over per-feature quantile columns
    last = jnp.take_along_axis(quantiles, idx, axis=0)
    nxt = jnp.take_along_axis(quantiles, idx + 1, axis=0)
    diff = nxt - last
    safe_diff = jnp.where(diff == 0, 1.0, diff)
    interp = jnp.where(diff == 0, 0.5, (x - last) / safe_diff)
    y = jnp.clip((idx.astype(jnp.float32) + interp) / n_quantiles, 0.0, 1.0)
    # output_normal=True: norm_inv_cdf then clamp(-100, 100).
    # torch: erfinv(+-1)=+-inf -> clamp -> +-100; emulate with explicit boundary where.
    eps = 1e-6
    y_safe = jnp.clip(y, eps, 1.0 - eps)
    g = jax.scipy.special.erfinv(2.0 * y_safe - 1.0) * math.sqrt(2.0)
    g = jnp.clip(g, -100.0, 100.0)
    out = jnp.where(y <= 0.0, -100.0, jnp.where(y >= 1.0, 100.0, g))
    return out

if __name__ == "__main__":
    import jax
    _d = setup_inputs()
    print(jax.jit(kernel)(*tuple(_d.values())))

</pallas_src>

<mosaic_0001>
#map = affine_map<(d0, d1) -> (0, 0)>
#map1 = affine_map<(d0, d1) -> (0)>
module attributes {stable_mosaic.version = 14 : i64} {
  func.func @_qp_sc(%arg0: i32, %arg1: i32, %arg2: memref<26x16384xf32, #tpu.memory_space<hbm>>, %arg3: memref<6682xf32, #tpu.memory_space<hbm>>, %arg4: memref<26x16384xf32, #tpu.memory_space<hbm>>, %arg5: memref<6682xf32, #tpu.memory_space<vmem>>, %arg6: memref<26x512xf32, #tpu.memory_space<vmem>>) attributes {dimension_semantics = [#tpu.dimension_semantics<core_parallel>, #tpu.dimension_semantics<subcore_parallel>], iteration_bounds = array<i64: 2, 16>, scalar_prefetch = 0 : i64, scratch_operands = 2 : i64, tpu.core_type = #tpu.core_type<sc_vector_subcore>, window_params = [{transform_indices = #map}, {transform_indices = #map1}, {transform_indices = #map}]} {
    %mul3A = arith.constant 2 : i32
    %mul3A_0 = arith.muli %arg1, %mul3A : i32
    %add3A = arith.addi %mul3A_0, %arg0 : i32
    %mul3A_1 = arith.constant 512 : i32
    %mul3A_2 = arith.muli %add3A, %mul3A_1 : i32
    "tpu.region"() ({
      %run_scoped3A = tpu.sem_alloc : memref<!tpu.dma_semaphore, #tpu.memory_space<semaphore_mem>>
      tpu.enqueue_dma source(%arg3 : memref<6682xf32, #tpu.memory_space<hbm>>) target(%arg5 : memref<6682xf32, #tpu.memory_space<vmem>>) target_semaphore(%run_scoped3A : memref<!tpu.dma_semaphore, #tpu.memory_space<semaphore_mem>>)
      tpu.wait_dma2 semaphore(%run_scoped3A : memref<!tpu.dma_semaphore, #tpu.memory_space<semaphore_mem>>) src(%arg3 : memref<6682xf32, #tpu.memory_space<hbm>>) dst(%arg5 : memref<6682xf32, #tpu.memory_space<vmem>>)
      tpu.yield
    }) : () -> ()
    "tpu.region"() ({
      %run_scoped3A = tpu.sem_alloc : memref<!tpu.dma_semaphore, #tpu.memory_space<semaphore_mem>>
      %dma_start3A = arith.constant 0 : i32
      %dma_start3A_5 = tpu.memref_slice %arg2[%dma_start3A, %mul3A_2] : memref<26x16384xf32, #tpu.memory_space<hbm>> -> memref<26x512xf32, #tpu.memory_space<hbm>>
      %dma_start3A_6 = arith.constant 0 : i32
      %dma_start3A_7 = tpu.memref_slice %arg2[%dma_start3A_6, %mul3A_2] : memref<26x16384xf32, #tpu.memory_space<hbm>> -> memref<26x512xf32, #tpu.memory_space<hbm>>
      tpu.enqueue_dma source(%dma_start3A_7 : memref<26x512xf32, #tpu.memory_space<hbm>>) target(%arg6 : memref<26x512xf32, #tpu.memory_space<vmem>>) target_semaphore(%run_scoped3A : memref<!tpu.dma_semaphore, #tpu.memory_space<semaphore_mem>>)
      %dma_wait3A = arith.constant 0 : i32
      %dma_wait3A_8 = tpu.memref_slice %arg2[%dma_wait3A, %mul3A_2] : memref<26x16384xf32, #tpu.memory_space<hbm>> -> memref<26x512xf32, #tpu.memory_space<hbm>>
      %dma_wait3A_9 = arith.constant 0 : i32
      %dma_wait3A_10 = tpu.memref_slice %arg2[%dma_wait3A_9, %mul3A_2] : memref<26x16384xf32, #tpu.memory_space<hbm>> -> memref<26x512xf32, #tpu.memory_space<hbm>>
      tpu.wait_dma2 semaphore(%run_scoped3A : memref<!tpu.dma_semaphore, #tpu.memory_space<semaphore_mem>>) src(%dma_wait3A_10 : memref<26x512xf32, #tpu.memory_space<hbm>>) dst(%arg6 : memref<26x512xf32, #tpu.memory_space<vmem>>)
      tpu.yield
    }) : () -> ()
    %iota3A = tpu.iota {dimensions = array<i32: 0>} : vector<16xi32>
    %parallel_loop3A = arith.constant 0 : i32
    %parallel_loop3A_3 = arith.constant 832 : i32
    %parallel_loop3A_4 = arith.constant 1 : i32
    scf.for %parallel_loop3A_5 = %parallel_loop3A to %parallel_loop3A_3 step %parallel_loop3A_4  : i32 {
      %parallel_loop3A_6 = arith.constant 16 : i32
      %parallel_loop3A_7 = arith.muli %parallel_loop3A_5, %parallel_loop3A_6 : i32
      %parallel_loop3A_8 = vector.broadcast %parallel_loop3A_7 : i32 to vector<16xi32>
      %parallel_loop3A_9 = arith.addi %parallel_loop3A_8, %iota3A : vector<16xi32>
      %parallel_loop3A_10 = arith.constant 26 : i32
      %parallel_loop3A_11 = vector.broadcast %parallel_loop3A_10 : i32 to vector<16xi32>
      %parallel_loop3A_12 = arith.divsi %parallel_loop3A_9, %parallel_loop3A_11 : vector<16xi32>
      %parallel_loop3A_13 = arith.constant 0 : i32
      %parallel_loop3A_14 = vector.broadcast %parallel_loop3A_13 : i32 to vector<16xi32>
      %parallel_loop3A_15 = arith.cmpi sgt, %parallel_loop3A_9, %parallel_loop3A_14 : vector<16xi32>
      %parallel_loop3A_16 = arith.extui %parallel_loop3A_15 : vector<16xi1> to vector<16xi32>
      %parallel_loop3A_17 = arith.constant 0 : i32
      %parallel_loop3A_18 = vector.broadcast %parallel_loop3A_17 : i32 to vector<16xi32>
      %parallel_loop3A_19 = arith.cmpi slt, %parallel_loop3A_9, %parallel_loop3A_18 : vector<16xi32>
      %parallel_loop3A_20 = arith.extui %parallel_loop3A_19 : vector<16xi1> to vector<16xi32>
      %parallel_loop3A_21 = arith.subi %parallel_loop3A_16, %parallel_loop3A_20 : vector<16xi32>
      %parallel_loop3A_22 = arith.constant 0 : i32
      %parallel_loop3A_23 = arith.cmpi sgt, %parallel_loop3A_10, %parallel_loop3A_22 : i32
      %parallel_loop3A_24 = arith.extui %parallel_loop3A_23 : i1 to i32
      %parallel_loop3A_25 = arith.constant 0 : i32
      %parallel_loop3A_26 = arith.cmpi slt, %parallel_loop3A_10, %parallel_loop3A_25 : i32
      %parallel_loop3A_27 = arith.extui %parallel_loop3A_26 : i1 to i32
      %parallel_loop3A_28 = arith.subi %parallel_loop3A_24, %parallel_loop3A_27 : i32
      %parallel_loop3A_29 = vector.broadcast %parallel_loop3A_28 : i32 to vector<16xi32>
      %parallel_loop3A_30 = arith.cmpi ne, %parallel_loop3A_21, %parallel_loop3A_29 : vector<16xi32>
      %parallel_loop3A_31 = vector.broadcast %parallel_loop3A_10 : i32 to vector<16xi32>
      %parallel_loop3A_32 = arith.remsi %parallel_loop3A_9, %parallel_loop3A_31 : vector<16xi32>
      %parallel_loop3A_33 = arith.constant 0 : i32
      %parallel_loop3A_34 = vector.broadcast %parallel_loop3A_33 : i32 to vector<16xi32>
      %parallel_loop3A_35 = arith.cmpi ne, %parallel_loop3A_32, %parallel_loop3A_34 : vector<16xi32>
      %parallel_loop3A_36 = arith.andi %parallel_loop3A_30, %parallel_loop3A_35 : vector<16xi1>
      %parallel_loop3A_37 = arith.constant 1 : i32
      %parallel_loop3A_38 = vector.broadcast %parallel_loop3A_37 : i32 to vector<16xi32>
      %parallel_loop3A_39 = arith.subi %parallel_loop3A_12, %parallel_loop3A_38 : vector<16xi32>
      %parallel_loop3A_40 = arith.select %parallel_loop3A_36, %parallel_loop3A_39, %parallel_loop3A_12 : vector<16xi1>, vector<16xi32>
      %parallel_loop3A_41 = arith.constant 26 : i32
      %parallel_loop3A_42 = vector.broadcast %parallel_loop3A_41 : i32 to vector<16xi32>
      %parallel_loop3A_43 = arith.muli %parallel_loop3A_40, %parallel_loop3A_42 : vector<16xi32>
      %parallel_loop3A_44 = arith.subi %parallel_loop3A_9, %parallel_loop3A_43 : vector<16xi32>
      %parallel_loop3A_45 = arith.addi %parallel_loop3A_40, %parallel_loop3A_44 : vector<16xi32>
      %parallel_loop3A_46 = arith.constant 511 : i32
      %parallel_loop3A_47 = vector.broadcast %parallel_loop3A_46 : i32 to vector<16xi32>
      %parallel_loop3A_48 = arith.andi %parallel_loop3A_45, %parallel_loop3A_47 : vector<16xi32>
      %parallel_loop3A_49 = tpu.vector_load_idx %arg6[%parallel_loop3A_44, %parallel_loop3A_48] : memref<26x512xf32, #tpu.memory_space<vmem>>[vector<16xi32>, vector<16xi32>], vector<16xf32>,
      %parallel_loop3A_50 = arith.constant 257 : i32
      %parallel_loop3A_51 = vector.broadcast %parallel_loop3A_50 : i32 to vector<16xi32>
      %parallel_loop3A_52 = arith.muli %parallel_loop3A_44, %parallel_loop3A_51 : vector<16xi32>
      %parallel_loop3A_53 = arith.constant 1 : i32
      %parallel_loop3A_54 = vector.broadcast %parallel_loop3A_53 : i32 to vector<16xi32>
      %parallel_loop3A_55 = arith.subi %parallel_loop3A_52, %parallel_loop3A_54 : vector<16xi32>
      %parallel_loop3A_56 = arith.constant 128 : i32
      %parallel_loop3A_57 = vector.broadcast %parallel_loop3A_56 : i32 to vector<16xi32>
      %parallel_loop3A_58 = arith.addi %parallel_loop3A_55, %parallel_loop3A_57 : vector<16xi32>
      %parallel_loop3A_59 = tpu.vector_load_idx %arg5[%parallel_loop3A_58] : memref<6682xf32, #tpu.memory_space<vmem>>[vector<16xi32>], vector<16xf32>,
      %parallel_loop3A_60 = arith.cmpf olt, %parallel_loop3A_59, %parallel_loop3A_49 : vector<16xf32>
      %parallel_loop3A_61 = arith.select %parallel_loop3A_60, %parallel_loop3A_58, %parallel_loop3A_55 : vector<16xi1>, vector<16xi32>
      %parallel_loop3A_62 = arith.constant 64 : i32
      %parallel_loop3A_63 = vector.broadcast %parallel_loop3A_62 : i32 to vector<16xi32>
      %parallel_loop3A_64 = arith.addi %parallel_loop3A_61, %parallel_loop3A_63 : vector<16xi32>
      %parallel_loop3A_65 = tpu.vector_load_idx %arg5[%parallel_loop3A_64] : memref<6682xf32, #tpu.memory_space<vmem>>[vector<16xi32>], vector<16xf32>,
      %parallel_loop3A_66 = arith.cmpf olt, %parallel_loop3A_65, %parallel_loop3A_49 : vector<16xf32>
      %parallel_loop3A_67 = arith.select %parallel_loop3A_66, %parallel_loop3A_64, %parallel_loop3A_61 : vector<16xi1>, vector<16xi32>
      %parallel_loop3A_68 = arith.constant 32 : i32
      %parallel_loop3A_69 = vector.broadcast %parallel_loop3A_68 : i32 to vector<16xi32>
      %parallel_loop3A_70 = arith.addi %parallel_loop3A_67, %parallel_loop3A_69 : vector<16xi32>
      %parallel_loop3A_71 = tpu.vector_load_idx %arg5[%parallel_loop3A_70] : memref<6682xf32, #tpu.memory_space<vmem>>[vector<16xi32>], vector<16xf32>,
      %parallel_loop3A_72 = arith.cmpf olt, %parallel_loop3A_71, %parallel_loop3A_49 : vector<16xf32>
      %parallel_loop3A_73 = arith.select %parallel_loop3A_72, %parallel_loop3A_70, %parallel_loop3A_67 : vector<16xi1>, vector<16xi32>
      %parallel_loop3A_74 = arith.constant 16 : i32
      %parallel_loop3A_75 = vector.broadcast %parallel_loop3A_74 : i32 to vector<16xi32>
      %parallel_loop3A_76 = arith.addi %parallel_loop3A_73, %parallel_loop3A_75 : vector<16xi32>
      %parallel_loop3A_77 = tpu.vector_load_idx %arg5[%parallel_loop3A_76] : memref<6682xf32, #tpu.memory_space<vmem>>[vector<16xi32>], vector<16xf32>,
      %parallel_loop3A_78 = arith.cmpf olt, %parallel_loop3A_77, %parallel_loop3A_49 : vector<16xf32>
      %parallel_loop3A_79 = arith.select %parallel_loop3A_78, %parallel_loop3A_76, %parallel_loop3A_73 : vector<16xi1>, vector<16xi32>
      %parallel_loop3A_80 = arith.constant 8 : i32
      %parallel_loop3A_81 = vector.broadcast %parallel_loop3A_80 : i32 to vector<16xi32>
      %parallel_loop3A_82 = arith.addi %parallel_loop3A_79, %parallel_loop3A_81 : vector<16xi32>
      %parallel_loop3A_83 = tpu.vector_load_idx %arg5[%parallel_loop3A_82] : memref<6682xf32, #tpu.memory_space<vmem>>[vector<16xi32>], vector<16xf32>,
      %parallel_loop3A_84 = arith.cmpf olt, %parallel_loop3A_83, %parallel_loop3A_49 : vector<16xf32>
      %parallel_loop3A_85 = arith.select %parallel_loop3A_84, %parallel_loop3A_82, %parallel_loop3A_79 : vector<16xi1>, vector<16xi32>
      %parallel_loop3A_86 = arith.constant 4 : i32
      %parallel_loop3A_87 = vector.broadcast %parallel_loop3A_86 : i32 to vector<16xi32>
      %parallel_loop3A_88 = arith.addi %parallel_loop3A_85, %parallel_loop3A_87 : vector<16xi32>
      %parallel_loop3A_89 = tpu.vector_load_idx %arg5[%parallel_loop3A_88] : memref<6682xf32, #tpu.memory_space<vmem>>[vector<16xi32>], vector<16xf32>,
      %parallel_loop3A_90 = arith.cmpf olt, %parallel_loop3A_89, %parallel_loop3A_49 : vector<16xf32>
      %parallel_loop3A_91 = arith.select %parallel_loop3A_90, %parallel_loop3A_88, %parallel_loop3A_85 : vector<16xi1>, vector<16xi32>
      %parallel_loop3A_92 = arith.constant 2 : i32
      %parallel_loop3A_93 = vector.broadcast %parallel_loop3A_92 : i32 to vector<16xi32>
      %parallel_loop3A_94 = arith.addi %parallel_loop3A_91, %parallel_loop3A_93 : vector<16xi32>
      %parallel_loop3A_95 = tpu.vector_load_idx %arg5[%parallel_loop3A_94] : memref<6682xf32, #tpu.memory_space<vmem>>[vector<16xi32>], vector<16xf32>,
      %parallel_loop3A_96 = arith.cmpf olt, %parallel_loop3A_95, %parallel_loop3A_49 : vector<16xf32>
      %parallel_loop3A_97 = arith.select %parallel_loop3A_96, %parallel_loop3A_94, %parallel_loop3A_91 : vector<16xi1>, vector<16xi32>
      %parallel_loop3A_98 = arith.constant 1 : i32
      %parallel_loop3A_99 = vector.broadcast %parallel_loop3A_98 : i32 to vector<16xi32>
      %parallel_loop3A_100 = arith.addi %parallel_loop3A_97, %parallel_loop3A_99 : vector<16xi32>
      %parallel_loop3A_101 = tpu.vector_load_idx %arg5[%parallel_loop3A_100] : memref<6682xf32, #tpu.memory_space<vmem>>[vector<16xi32>], vector<16xf32>,
      %parallel_loop3A_102 = arith.cmpf olt, %parallel_loop3A_101, %parallel_loop3A_49 : vector<16xf32>
      %parallel_loop3A_103 = arith.select %parallel_loop3A_102, %parallel_loop3A_100, %parallel_loop3A_97 : vector<16xi1>, vector<16xi32>
      %parallel_loop3A_104 = arith.constant 1 : i32
      %parallel_loop3A_105 = vector.broadcast %parallel_loop3A_104 : i32 to vector<16xi32>
      %parallel_loop3A_106 = arith.addi %parallel_loop3A_55, %parallel_loop3A_105 : vector<16xi32>
      %parallel_loop3A_107 = arith.constant 255 : i32
      %parallel_loop3A_108 = vector.broadcast %parallel_loop3A_107 : i32 to vector<16xi32>
      %parallel_loop3A_109 = arith.addi %parallel_loop3A_55, %parallel_loop3A_108 : vector<16xi32>
      %parallel_loop3A_110 = arith.maxsi %parallel_loop3A_106, %parallel_loop3A_103 : vector<16xi32>
      %parallel_loop3A_111 = arith.minsi %parallel_loop3A_109, %parallel_loop3A_110 : vector<16xi32>
      %parallel_loop3A_112 = arith.constant 1 : i32
      %parallel_loop3A_113 = vector.broadcast %parallel_loop3A_112 : i32 to vector<16xi32>
      %parallel_loop3A_114 = arith.addi %parallel_loop3A_55, %parallel_loop3A_113 : vector<16xi32>
      %parallel_loop3A_115 = arith.subi %parallel_loop3A_111, %parallel_loop3A_114 : vector<16xi32>
      %parallel_loop3A_116 = arith.sitofp %parallel_loop3A_115 : vector<16xi32> to vector<16xf32>
      %parallel_loop3A_117 = tpu.vector_load_idx %arg5[%parallel_loop3A_111] : memref<6682xf32, #tpu.memory_space<vmem>>[vector<16xi32>], vector<16xf32>,
      %parallel_loop3A_118 = arith.constant 1 : i32
      %parallel_loop3A_119 = vector.broadcast %parallel_loop3A_118 : i32 to vector<16xi32>
      %parallel_loop3A_120 = arith.addi %parallel_loop3A_111, %parallel_loop3A_119 : vector<16xi32>
      %parallel_loop3A_121 = tpu.vector_load_idx %arg5[%parallel_loop3A_120] : memref<6682xf32, #tpu.memory_space<vmem>>[vector<16xi32>], vector<16xf32>,
      %parallel_loop3A_122 = arith.subf %parallel_loop3A_121, %parallel_loop3A_117 : vector<16xf32>
      %parallel_loop3A_123 = arith.constant 0.000000e+00 : f32
      %parallel_loop3A_124 = vector.broadcast %parallel_loop3A_123 : f32 to vector<16xf32>
      %parallel_loop3A_125 = arith.cmpf oeq, %parallel_loop3A_122, %parallel_loop3A_124 : vector<16xf32>
      %parallel_loop3A_126 = arith.constant 1.000000e+00 : f32
      %parallel_loop3A_127 = vector.broadcast %parallel_loop3A_126 : f32 to vector<16xf32>
      %parallel_loop3A_128 = arith.select %parallel_loop3A_125, %parallel_loop3A_127, %parallel_loop3A_122 : vector<16xi1>, vector<16xf32>
      %parallel_loop3A_129 = arith.subf %parallel_loop3A_49, %parallel_loop3A_117 : vector<16xf32>
      %parallel_loop3A_130 = arith.divf %parallel_loop3A_129, %parallel_loop3A_128 : vector<16xf32>
      %parallel_loop3A_131 = arith.constant 5.000000e-01 : f32
      %parallel_loop3A_132 = vector.broadcast %parallel_loop3A_131 : f32 to vector<16xf32>
      %parallel_loop3A_133 = arith.select %parallel_loop3A_125, %parallel_loop3A_132, %parallel_loop3A_130 : vector<16xi1>, vector<16xf32>
      %parallel_loop3A_134 = arith.addf %parallel_loop3A_116, %parallel_loop3A_133 : vector<16xf32>
      %parallel_loop3A_135 = arith.constant 3.906250e-03 : f32
      %parallel_loop3A_136 = vector.broadcast %parallel_loop3A_135 : f32 to vector<16xf32>
      %parallel_loop3A_137 = arith.mulf %parallel_loop3A_134, %parallel_loop3A_136 : vector<16xf32>
      %parallel_loop3A_138 = arith.constant 0.000000e+00 : f32
      %parallel_loop3A_139 = arith.constant 1.000000e+00 : f32
      %parallel_loop3A_140 = vector.broadcast %parallel_loop3A_138 : f32 to vector<16xf32>
      %parallel_loop3A_141 = arith.maximumf %parallel_loop3A_140, %parallel_loop3A_137 : vector<16xf32>
      %parallel_loop3A_142 = vector.broadcast %parallel_loop3A_139 : f32 to vector<16xf32>
      %parallel_loop3A_143 = arith.minimumf %parallel_loop3A_142, %parallel_loop3A_141 : vector<16xf32>
      %parallel_loop3A_144 = arith.constant 9.99999997E-7 : f32
      %parallel_loop3A_145 = arith.constant 0.999998986 : f32
      %parallel_loop3A_146 = vector.broadcast %parallel_loop3A_144 : f32 to vector<16xf32>
      %parallel_loop3A_147 = arith.maximumf %parallel_loop3A_146, %parallel_loop3A_143 : vector<16xf32>
      %parallel_loop3A_148 = vector.broadcast %parallel_loop3A_145 : f32 to vector<16xf32>
      %parallel_loop3A_149 = arith.minimumf %parallel_loop3A_148, %parallel_loop3A_147 : vector<16xf32>
      %parallel_loop3A_150 = arith.constant 2.000000e+00 : f32
      %parallel_loop3A_151 = vector.broadcast %parallel_loop3A_150 : f32 to vector<16xf32>
      %parallel_loop3A_152 = arith.mulf %parallel_loop3A_151, %parallel_loop3A_149 : vector<16xf32>
      %parallel_loop3A_153 = arith.constant 1.000000e+00 : f32
      %parallel_loop3A_154 = vector.broadcast %parallel_loop3A_153 : f32 to vector<16xf32>
      %parallel_loop3A_155 = arith.subf %parallel_loop3A_152, %parallel_loop3A_154 : vector<16xf32>
      %parallel_loop3A_156 = arith.constant 1.000000e+00 : f32
      %parallel_loop3A_157 = vector.broadcast %parallel_loop3A_156 : f32 to vector<16xf32>
      %parallel_loop3A_158 = arith.subf %parallel_loop3A_157, %parallel_loop3A_155 : vector<16xf32>
      %parallel_loop3A_159 = arith.constant 1.000000e+00 : f32
      %parallel_loop3A_160 = vector.broadcast %parallel_loop3A_159 : f32 to vector<16xf32>
      %parallel_loop3A_161 = arith.addf %parallel_loop3A_160, %parallel_loop3A_155 : vector<16xf32>
      %parallel_loop3A_162 = arith.mulf %parallel_loop3A_158, %parallel_loop3A_161 : vector<16xf32>
      %parallel_loop3A_163 = vector.bitcast %parallel_loop3A_162 : vector<16xf32> to vector<16xi32>
      %parallel_loop3A_164 = arith.constant 23 : i32
      %parallel_loop3A_165 = vector.broadcast %parallel_loop3A_164 : i32 to vector<16xi32>
      %parallel_loop3A_166 = arith.shrsi %parallel_loop3A_163, %parallel_loop3A_165 : vector<16xi32>
      %parallel_loop3A_167 = arith.constant 127 : i32
      %parallel_loop3A_168 = vector.broadcast %parallel_loop3A_167 : i32 to vector<16xi32>
      %parallel_loop3A_169 = arith.subi %parallel_loop3A_166, %parallel_loop3A_168 : vector<16xi32>
      %parallel_loop3A_170 = arith.constant 8388607 : i32
      %parallel_loop3A_171 = vector.broadcast %parallel_loop3A_170 : i32 to vector<16xi32>
      %parallel_loop3A_172 = arith.andi %parallel_loop3A_163, %parallel_loop3A_171 : vector<16xi32>
      %parallel_loop3A_173 = arith.constant 1065353216 : i32
      %parallel_loop3A_174 = vector.broadcast %parallel_loop3A_173 : i32 to vector<16xi32>
      %parallel_loop3A_175 = arith.ori %parallel_loop3A_172, %parallel_loop3A_174 : vector<16xi32>
      %parallel_loop3A_176 = vector.bitcast %parallel_loop3A_175 : vector<16xi32> to vector<16xf32>
      %parallel_loop3A_177 = arith.constant 1.000000e+00 : f32
      %parallel_loop3A_178 = vector.broadcast %parallel_loop3A_177 : f32 to vector<16xf32>
      %parallel_loop3A_179 = arith.subf %parallel_loop3A_176, %parallel_loop3A_178 : vector<16xf32>
      %parallel_loop3A_180 = arith.sitofp %parallel_loop3A_169 : vector<16xi32> to vector<16xf32>
      %parallel_loop3A_181 = arith.constant -0.693147182 : f32
      %parallel_loop3A_182 = vector.broadcast %parallel_loop3A_181 : f32 to vector<16xf32>
      %parallel_loop3A_183 = arith.mulf %parallel_loop3A_180, %parallel_loop3A_182 : vector<16xf32>
      %parallel_loop3A_184 = arith.constant 0.0172080602 : f32
      %parallel_loop3A_185 = vector.broadcast %parallel_loop3A_184 : f32 to vector<16xf32>
      %parallel_loop3A_186 = arith.mulf %parallel_loop3A_185, %parallel_loop3A_179 : vector<16xf32>
      %parallel_loop3A_187 = arith.constant -0.0817268118 : f32
      %parallel_loop3A_188 = vector.broadcast %parallel_loop3A_187 : f32 to vector<16xf32>
      %parallel_loop3A_189 = arith.addf %parallel_loop3A_186, %parallel_loop3A_188 : vector<16xf32>
      %parallel_loop3A_190 = arith.mulf %parallel_loop3A_189, %parallel_loop3A_179 : vector<16xf32>
      %parallel_loop3A_191 = arith.constant 0.188782677 : f32
      %parallel_loop3A_192 = vector.broadcast %parallel_loop3A_191 : f32 to vector<16xf32>
      %parallel_loop3A_193 = arith.addf %parallel_loop3A_190, %parallel_loop3A_192 : vector<16xf32>
      %parallel_loop3A_194 = arith.mulf %parallel_loop3A_193, %parallel_loop3A_179 : vector<16xf32>
      %parallel_loop3A_195 = arith.constant -0.314590544 : f32
      %parallel_loop3A_196 = vector.broadcast %parallel_loop3A_195 : f32 to vector<16xf32>
      %parallel_loop3A_197 = arith.addf %parallel_loop3A_194, %parallel_loop3A_196 : vector<16xf32>
      %parallel_loop3A_198 = arith.mulf %parallel_loop3A_197, %parallel_loop3A_179 : vector<16xf32>
      %parallel_loop3A_199 = arith.constant 0.496977925 : f32
      %parallel_loop3A_200 = vector.broadcast %parallel_loop3A_199 : f32 to vector<16xf32>
      %parallel_loop3A_201 = arith.addf %parallel_loop3A_198, %parallel_loop3A_200 : vector<16xf32>
      %parallel_loop3A_202 = arith.mulf %parallel_loop3A_201, %parallel_loop3A_179 : vector<16xf32>
      %parallel_loop3A_203 = arith.constant -0.999792456 : f32
      %parallel_loop3A_204 = vector.broadcast %parallel_loop3A_203 : f32 to vector<16xf32>
      %parallel_loop3A_205 = arith.addf %parallel_loop3A_202, %parallel_loop3A_204 : vector<16xf32>
      %parallel_loop3A_206 = arith.mulf %parallel_loop3A_205, %parallel_loop3A_179 : vector<16xf32>
      %parallel_loop3A_207 = arith.constant -3.50755204E-6 : f32
      %parallel_loop3A_208 = vector.broadcast %parallel_loop3A_207 : f32 to vector<16xf32>
      %parallel_loop3A_209 = arith.addf %parallel_loop3A_206, %parallel_loop3A_208 : vector<16xf32>
      %parallel_loop3A_210 = arith.addf %parallel_loop3A_183, %parallel_loop3A_209 : vector<16xf32>
      %parallel_loop3A_211 = arith.constant 2.500000e+00 : f32
      %parallel_loop3A_212 = vector.broadcast %parallel_loop3A_211 : f32 to vector<16xf32>
      %parallel_loop3A_213 = arith.subf %parallel_loop3A_210, %parallel_loop3A_212 : vector<16xf32>
      %parallel_loop3A_214 = arith.constant 3.97426021E-8 : f32
      %parallel_loop3A_215 = vector.broadcast %parallel_loop3A_214 : f32 to vector<16xf32>
      %parallel_loop3A_216 = arith.mulf %parallel_loop3A_215, %parallel_loop3A_213 : vector<16xf32>
      %parallel_loop3A_217 = arith.constant 4.85462635E-7 : f32
      %parallel_loop3A_218 = vector.broadcast %parallel_loop3A_217 : f32 to vector<16xf32>
      %parallel_loop3A_219 = arith.addf %parallel_loop3A_216, %parallel_loop3A_218 : vector<16xf32>
      %parallel_loop3A_220 = arith.mulf %parallel_loop3A_219, %parallel_loop3A_213 : vector<16xf32>
      %parallel_loop3A_221 = arith.constant -4.9828227E-6 : f32
      %parallel_loop3A_222 = vector.broadcast %parallel_loop3A_221 : f32 to vector<16xf32>
      %parallel_loop3A_223 = arith.addf %parallel_loop3A_220, %parallel_loop3A_222 : vector<16xf32>
      %parallel_loop3A_224 = arith.mulf %parallel_loop3A_223, %parallel_loop3A_213 : vector<16xf32>
      %parallel_loop3A_225 = arith.constant -6.21052823E-6 : f32
      %parallel_loop3A_226 = vector.broadcast %parallel_loop3A_225 : f32 to vector<16xf32>
      %parallel_loop3A_227 = arith.addf %parallel_loop3A_224, %parallel_loop3A_226 : vector<16xf32>
      %parallel_loop3A_228 = arith.mulf %parallel_loop3A_227, %parallel_loop3A_213 : vector<16xf32>
      %parallel_loop3A_229 = arith.constant 3.0912002E-4 : f32
      %parallel_loop3A_230 = vector.broadcast %parallel_loop3A_229 : f32 to vector<16xf32>
      %parallel_loop3A_231 = arith.addf %parallel_loop3A_228, %parallel_loop3A_230 : vector<16xf32>
      %parallel_loop3A_232 = arith.mulf %parallel_loop3A_231, %parallel_loop3A_213 : vector<16xf32>
      %parallel_loop3A_233 = arith.constant -0.00177303492 : f32
      %parallel_loop3A_234 = vector.broadcast %parallel_loop3A_233 : f32 to vector<16xf32>
      %parallel_loop3A_235 = arith.addf %parallel_loop3A_232, %parallel_loop3A_234 : vector<16xf32>
      %parallel_loop3A_236 = arith.mulf %parallel_loop3A_235, %parallel_loop3A_213 : vector<16xf32>
      %parallel_loop3A_237 = arith.constant -0.00590813393 : f32
      %parallel_loop3A_238 = vector.broadcast %parallel_loop3A_237 : f32 to vector<16xf32>
      %parallel_loop3A_239 = arith.addf %parallel_loop3A_236, %parallel_loop3A_238 : vector<16xf32>
      %parallel_loop3A_240 = arith.mulf %parallel_loop3A_239, %parallel_loop3A_213 : vector<16xf32>
      %parallel_loop3A_241 = arith.constant 0.348802656 : f32
      %parallel_loop3A_242 = vector.broadcast %parallel_loop3A_241 : f32 to vector<16xf32>
      %parallel_loop3A_243 = arith.addf %parallel_loop3A_240, %parallel_loop3A_242 : vector<16xf32>
      %parallel_loop3A_244 = arith.mulf %parallel_loop3A_243, %parallel_loop3A_213 : vector<16xf32>
      %parallel_loop3A_245 = arith.constant 2.12331367 : f32
      %parallel_loop3A_246 = vector.broadcast %parallel_loop3A_245 : f32 to vector<16xf32>
      %parallel_loop3A_247 = arith.addf %parallel_loop3A_244, %parallel_loop3A_246 : vector<16xf32>
      %parallel_loop3A_248 = arith.constant 1.000000e-10 : f32
      %parallel_loop3A_249 = vector.broadcast %parallel_loop3A_248 : f32 to vector<16xf32>
      %parallel_loop3A_250 = arith.maximumf %parallel_loop3A_210, %parallel_loop3A_249 : vector<16xf32>
      %parallel_loop3A_251 = vector.bitcast %parallel_loop3A_250 : vector<16xf32> to vector<16xi32>
      %parallel_loop3A_252 = arith.constant 1 : i32
      %parallel_loop3A_253 = vector.broadcast %parallel_loop3A_252 : i32 to vector<16xi32>
      %parallel_loop3A_254 = arith.shrsi %parallel_loop3A_251, %parallel_loop3A_253 : vector<16xi32>
      %parallel_loop3A_255 = arith.constant 1597463007 : i32
      %parallel_loop3A_256 = vector.broadcast %parallel_loop3A_255 : i32 to vector<16xi32>
      %parallel_loop3A_257 = arith.subi %parallel_loop3A_256, %parallel_loop3A_254 : vector<16xi32>
      %parallel_loop3A_258 = vector.bitcast %parallel_loop3A_257 : vector<16xi32> to vector<16xf32>
      %parallel_loop3A_259 = arith.constant 5.000000e-01 : f32
      %parallel_loop3A_260 = vector.broadcast %parallel_loop3A_259 : f32 to vector<16xf32>
      %parallel_loop3A_261 = arith.mulf %parallel_loop3A_260, %parallel_loop3A_250 : vector<16xf32>
      %parallel_loop3A_262 = arith.mulf %parallel_loop3A_261, %parallel_loop3A_258 : vector<16xf32>
      %parallel_loop3A_263 = arith.mulf %parallel_loop3A_262, %parallel_loop3A_258 : vector<16xf32>
      %parallel_loop3A_264 = arith.constant 1.500000e+00 : f32
      %parallel_loop3A_265 = vector.broadcast %parallel_loop3A_264 : f32 to vector<16xf32>
      %parallel_loop3A_266 = arith.subf %parallel_loop3A_265, %parallel_loop3A_263 : vector<16xf32>
      %parallel_loop3A_267 = arith.mulf %parallel_loop3A_258, %parallel_loop3A_266 : vector<16xf32>
      %parallel_loop3A_268 = arith.constant 5.000000e-01 : f32
      %parallel_loop3A_269 = vector.broadcast %parallel_loop3A_268 : f32 to vector<16xf32>
      %parallel_loop3A_270 = arith.mulf %parallel_loop3A_269, %parallel_loop3A_250 : vector<16xf32>
      %parallel_loop3A_271 = arith.mulf %parallel_loop3A_270, %parallel_loop3A_267 : vector<16xf32>
      %parallel_loop3A_272 = arith.mulf %parallel_loop3A_271, %parallel_loop3A_267 : vector<16xf32>
      %parallel_loop3A_273 = arith.constant 1.500000e+00 : f32
      %parallel_loop3A_274 = vector.broadcast %parallel_loop3A_273 : f32 to vector<16xf32>
      %parallel_loop3A_275 = arith.subf %parallel_loop3A_274, %parallel_loop3A_272 : vector<16xf32>
      %parallel_loop3A_276 = arith.mulf %parallel_loop3A_267, %parallel_loop3A_275 : vector<16xf32>
      %parallel_loop3A_277 = arith.mulf %parallel_loop3A_250, %parallel_loop3A_276 : vector<16xf32>
      %parallel_loop3A_278 = arith.constant 3.000000e+00 : f32
      %parallel_loop3A_279 = vector.broadcast %parallel_loop3A_278 : f32 to vector<16xf32>
      %parallel_loop3A_280 = arith.subf %parallel_loop3A_277, %parallel_loop3A_279 : vector<16xf32>
      %parallel_loop3A_281 = arith.constant -2.83145724E-4 : f32
      %parallel_loop3A_282 = vector.broadcast %parallel_loop3A_281 : f32 to vector<16xf32>
      %parallel_loop3A_283 = arith.mulf %parallel_loop3A_282, %parallel_loop3A_280 : vector<16xf32>
      %parallel_loop3A_284 = arith.constant 1.42765653E-4 : f32
      %parallel_loop3A_285 = vector.broadcast %parallel_loop3A_284 : f32 to vector<16xf32>
      %parallel_loop3A_286 = arith.addf %parallel_loop3A_283, %parallel_loop3A_285 : vector<16xf32>
      %parallel_loop3A_287 = arith.mulf %parallel_loop3A_286, %parallel_loop3A_280 : vector<16xf32>
      %parallel_loop3A_288 = arith.constant 0.00190825947 : f32
      %parallel_loop3A_289 = vector.broadcast %parallel_loop3A_288 : f32 to vector<16xf32>
      %parallel_loop3A_290 = arith.addf %parallel_loop3A_287, %parallel_loop3A_289 : vector<16xf32>
      %parallel_loop3A_291 = arith.mulf %parallel_loop3A_290, %parallel_loop3A_280 : vector<16xf32>
      %parallel_loop3A_292 = arith.constant -0.00519501232 : f32
      %parallel_loop3A_293 = vector.broadcast %parallel_loop3A_292 : f32 to vector<16xf32>
      %parallel_loop3A_294 = arith.addf %parallel_loop3A_291, %parallel_loop3A_293 : vector<16xf32>
      %parallel_loop3A_295 = arith.mulf %parallel_loop3A_294, %parallel_loop3A_280 : vector<16xf32>
      %parallel_loop3A_296 = arith.constant 0.00811688974 : f32
      %parallel_loop3A_297 = vector.broadcast %parallel_loop3A_296 : f32 to vector<16xf32>
      %parallel_loop3A_298 = arith.addf %parallel_loop3A_295, %parallel_loop3A_297 : vector<16xf32>
      %parallel_loop3A_299 = arith.mulf %parallel_loop3A_298, %parallel_loop3A_280 : vector<16xf32>
      %parallel_loop3A_300 = arith.constant -0.0107797878 : f32
      %parallel_loop3A_301 = vector.broadcast %parallel_loop3A_300 : f32 to vector<16xf32>
      %parallel_loop3A_302 = arith.addf %parallel_loop3A_299, %parallel_loop3A_301 : vector<16xf32>
      %parallel_loop3A_303 = arith.mulf %parallel_loop3A_302, %parallel_loop3A_280 : vector<16xf32>
      %parallel_loop3A_304 = arith.constant 0.0133485785 : f32
      %parallel_loop3A_305 = vector.broadcast %parallel_loop3A_304 : f32 to vector<16xf32>
      %parallel_loop3A_306 = arith.addf %parallel_loop3A_303, %parallel_loop3A_305 : vector<16xf32>
      %parallel_loop3A_307 = arith.mulf %parallel_loop3A_306, %parallel_loop3A_280 : vector<16xf32>
      %parallel_loop3A_308 = arith.constant 1.41658103 : f32
      %parallel_loop3A_309 = vector.broadcast %parallel_loop3A_308 : f32 to vector<16xf32>
      %parallel_loop3A_310 = arith.addf %parallel_loop3A_307, %parallel_loop3A_309 : vector<16xf32>
      %parallel_loop3A_311 = arith.mulf %parallel_loop3A_310, %parallel_loop3A_280 : vector<16xf32>
      %parallel_loop3A_312 = arith.constant 4.00643444 : f32
      %parallel_loop3A_313 = vector.broadcast %parallel_loop3A_312 : f32 to vector<16xf32>
      %parallel_loop3A_314 = arith.addf %parallel_loop3A_311, %parallel_loop3A_313 : vector<16xf32>
      %parallel_loop3A_315 = arith.constant 5.000000e+00 : f32
      %parallel_loop3A_316 = vector.broadcast %parallel_loop3A_315 : f32 to vector<16xf32>
      %parallel_loop3A_317 = arith.cmpf olt, %parallel_loop3A_210, %parallel_loop3A_316 : vector<16xf32>
      %parallel_loop3A_318 = arith.select %parallel_loop3A_317, %parallel_loop3A_247, %parallel_loop3A_314 : vector<16xi1>, vector<16xf32>
      %parallel_loop3A_319 = arith.mulf %parallel_loop3A_318, %parallel_loop3A_155 : vector<16xf32>
      %parallel_loop3A_320 = arith.constant 0.000000e+00 : f32
      %parallel_loop3A_321 = vector.broadcast %parallel_loop3A_320 : f32 to vector<16xf32>
      %parallel_loop3A_322 = arith.cmpf ole, %parallel_loop3A_143, %parallel_loop3A_321 : vector<16xf32>
      %parallel_loop3A_323 = arith.constant 1.000000e+00 : f32
      %parallel_loop3A_324 = vector.broadcast %parallel_loop3A_323 : f32 to vector<16xf32>
      %parallel_loop3A_325 = arith.cmpf oge, %parallel_loop3A_143, %parallel_loop3A_324 : vector<16xf32>
      %parallel_loop3A_326 = arith.constant 1.000000e+02 : f32
      %parallel_loop3A_327 = vector.broadcast %parallel_loop3A_326 : f32 to vector<16xf32>
      %parallel_loop3A_328 = arith.select %parallel_loop3A_325, %parallel_loop3A_327, %parallel_loop3A_319 : vector<16xi1>, vector<16xf32>
      %parallel_loop3A_329 = arith.constant -1.000000e+02 : f32
      %parallel_loop3A_330 = vector.broadcast %parallel_loop3A_329 : f32 to vector<16xf32>
      %parallel_loop3A_331 = arith.select %parallel_loop3A_322, %parallel_loop3A_330, %parallel_loop3A_328 : vector<16xi1>, vector<16xf32>
      tpu.vector_store_idx %arg6[%parallel_loop3A_44, %parallel_loop3A_48], %parallel_loop3A_331 : memref<26x512xf32, #tpu.memory_space<vmem>>[vector<16xi32>, vector<16xi32>], vector<16xf32>,
    } {sc.loop_unroll_factor = 4 : i64, sc.parallel_access}
    "tpu.region"() ({
      %run_scoped3A = tpu.sem_alloc : memref<!tpu.dma_semaphore, #tpu.memory_space<semaphore_mem>>
      %dma_start3A = arith.constant 0 : i32
      %dma_start3A_5 = tpu.memref_slice %arg4[%dma_start3A, %mul3A_2] : memref<26x16384xf32, #tpu.memory_space<hbm>> -> memref<26x512xf32, #tpu.memory_space<hbm>>
      %dma_start3A_6 = arith.constant 0 : i32
      %dma_start3A_7 = tpu.memref_slice %arg4[%dma_start3A_6, %mul3A_2] : memref<26x16384xf32, #tpu.memory_space<hbm>> -> memref<26x512xf32, #tpu.memory_space<hbm>>
      tpu.enqueue_dma source(%arg6 : memref<26x512xf32, #tpu.memory_space<vmem>>) target(%dma_start3A_7 : memref<26x512xf32, #tpu.memory_space<hbm>>) target_semaphore(%run_scoped3A : memref<!tpu.dma_semaphore, #tpu.memory_space<semaphore_mem>>)
      %dma_wait3A = arith.constant 0 : i32
      %dma_wait3A_8 = tpu.memref_slice %arg4[%dma_wait3A, %mul3A_2] : memref<26x16384xf32, #tpu.memory_space<hbm>> -> memref<26x512xf32, #tpu.memory_space<hbm>>
      %dma_wait3A_9 = arith.constant 0 : i32
      %dma_wait3A_10 = tpu.memref_slice %arg4[%dma_wait3A_9, %mul3A_2] : memref<26x16384xf32, #tpu.memory_space<hbm>> -> memref<26x512xf32, #tpu.memory_space<hbm>>
      tpu.wait_dma2 semaphore(%run_scoped3A : memref<!tpu.dma_semaphore, #tpu.memory_space<semaphore_mem>>) src(%arg6 : memref<26x512xf32, #tpu.memory_space<vmem>>) dst(%dma_wait3A_10 : memref<26x512xf32, #tpu.memory_space<hbm>>)
      tpu.yield
    }) : () -> ()
    return
  }
}

</mosaic_0001>

<sc_bundles>
// kernel: kernel.3.cloned.1.call-start
scs
__scs_entry_jumppad:
0x0: {  	(pc) =	sbr.rel $0x88, $3  }
0x1: {  	(tag) =	ssettag $0x0;
	lr =	simm.s32 $0x1  }
0x2: {  	[smem:$0x3F9F] =	sst lr;
	_ =	strace $0xD0000000  }
0x3: {  	_ = 	snop  }
0x4: {  	_ = 	snop  }
0x5: {  	_ = 	snop  }
0x6: {  	_ = 	snop  }
0x7: {  	_ = 	snop  }
__scs_overlays_trampoline_lowered:
0x8: {  	[smem:$0x3FAE] =	sst s0  }
0x9: {  	[smem:$0x3FAF] =	sst s1  }
0xa: {  	[smem:$0x3FB0] =	sst s2  }
0xb: {  	[smem:$0x3FB1] =	sst s3  }
0xc: {  	[smem:$0x3FB2] =	sst s4  }
0xd: {  	[smem:$0x3FB3] =	sst s5  }
0xe: {  	[smem:$0x3FB4] =	sst s6  }
0xf: {  	[smem:$0x3FB5] =	sst s7  }
0x10: {  	[smem:$0x3FB6] =	sst s8  }
0x11: {  	[smem:$0x3FB7] =	sst s9;
	s0 =	simm.s32 @!p0 $0x0  }
0x12: {  	s1 =	sld [smem:$0x3F9D];
	s0 =	simm.s32 @p0 $0x1  }
0x13: {  	[smem:$0x3FB8] =	sst s0;
	s0 =	simm.s32 @!p1 $0x0  }
0x14: {  	s2 =	sld [smem:$0x3F9C];
	s0 =	simm.s32 @p1 $0x1  }
0x15: {  	[smem:$0x3FB9] =	sst s0;
	s0 =	simm.s32 @!p2 $0x0  }
0x16: {  	s3 =	sld [smem:$0x3FDB];
	s0 =	simm.s32 @p2 $0x1  }
0x17: {  	s4 =	simm.s32 $0x1BF5;
	[smem:$0x3FBB] =	sst s0  }
0x18: {  	s0 =	sld [smem:$0x3F9E];
	_ =	swait.ge [sflag:s4], $0x0  }
0x19: {  	s7 =	sld [smem:$0x3F9F]  }
0x1a: {  	s8 =	sadd.s32 $0xFFFFE003, lr  }
0x1b: {  	s9 =	sadd.s32 $0xFFFFFEF7, lr;
	s5 =	simm.s32 $0xFFFFFFFF;
	p2 =	slt.u32 s8, $0xFFFFF086  }
0x1c: {  	p1 =	slt.u32 s9, $0xF7A;
	s5 =	simm.s32 @!p2 $0x0  }
0x1d: {  	s5 =	simm.s32 @p1 $0x1;
	p0 =	seq.s32 s7, s2  }
0x1e: {  	s7 =	smul.u32 @!p0 $0xF7A, s2;
	p2 =	seq.s32 @!p0 s5, $0x0  }
0x1f: {  	s9 =	smul.u32 $0xF7A, s1;
	s8 =	simm.s32 @!p0 $0x1BF5;
	p2 =	por !p2, p0  }
0x20: {  	[sflag:s8] =	ssyncset.s32 @!p0 $0xFFFFF086;
	s6 =	sadd.s32 @!p0 s3, s7;
	s7 =	simm.s32 @!p0 $0x108  }
0x21: {  	s3 =	sadd.s32 s3, s9;
	s6 =	sadd.s32 @!p0 $0x88, s6;
	s7 =	simm.s32 @p2 $0x1082  }
0x22: {  	[simem:s7], [sflag:s8] =	dma.local @!p0 [hbm:s6], $0xF7A  }
0x23: {  	s9 =	sor.u32 $0xD0000000, s2;
	s6 =	simm.s32 $0x108;
	_ =	swait.ge @!p0 [sflag:s8], $0x0  }
0x24: {  	s3 =	sadd.s32 $0x88, s3;
	s6 =	simm.s32 @!p1 $0x1082;
	[sflag:s4] =	ssyncset.s32 $0xFFFFF086  }
0x25: {  	[simem:s6], [sflag:s4] =	dma.local [hbm:s3], $0xF7A  }
0x26: {  	[smem:$0x3F9F] =	sst s1;
	(tag) =	ssettag s2;
	_ =	strace s9  }
0x27: {  	s1 =	sld [smem:$0x3FAF]  }
0x28: {  	s2 =	sld [smem:$0x3FB0]  }
0x29: {  	s4 =	sld [smem:$0x3FB2]  }
0x2a: {  	p0 =	seq.s32 s5, $0x0;
	s5 =	sld [smem:$0x3FB3]  }
0x2b: {  	s6 =	sld [smem:$0x3FB4]  }
0x2c: {  	s7 =	sld [smem:$0x3FB5]  }
0x2d: {  	s3 =	simm.s32 $0x108;
	s8 =	sld [smem:$0x3FB6]  }
0x2e: {  	s3 =	simm.s32 @!p0 $0x1082;
	s9 =	sld [smem:$0x3FB7]  }
0x2f: {  	lr =	sadd.s32 s0, s3;
	s0 =	sld [smem:$0x3FAE]  }
0x30: {  	s3 =	sld [smem:$0x3FB1]  }
0x31: {  	[smem:$0x3FBA] =	sst s10  }
0x32: {  	s10 =	sld [smem:$0x3FB8];
	_ =	sdelay $0x3  }
0x33: {  	p0 =	seq.s32 s10, $0x1;
	s10 =	sld [smem:$0x3FBA];
	_ =	sdelay $0x3  }
0x34: {  	[smem:$0x3FBA] =	sst s10  }
0x35: {  	s10 =	sld [smem:$0x3FB9];
	_ =	sdelay $0x3  }
0x36: {  	p1 =	seq.s32 s10, $0x1;
	s10 =	sld [smem:$0x3FBA];
	_ =	sdelay $0x3  }
0x37: {  	[smem:$0x3FBA] =	sst s10  }
0x38: {  	s10 =	sld [smem:$0x3FBB]  }
0x39: {  	_ = 	snop;
	(pc) =	sbr.ind lr, $3  }
0x3a: {  	_ = 	snop  }
0x3b: {  	_ = 	snop  }
0x3c: {  	p2 =	seq.s32 s10, $0x1;
	s10 =	sld [smem:$0x3FBA]  }
0x3d: {  	_ =	shalt  }
0x3e: {  	_ =	shalt  }
0x3f: {  	_ =	shalt  }
0x40: {  	_ =	shalt  }
0x41: {  	_ =	shalt  }
0x42: {  	_ =	shalt  }
0x43: {  	_ =	shalt  }
0x44: {  	_ =	shalt  }
0x45: {  	_ =	shalt  }
0x46: {  	_ =	shalt  }
0x47: {  	_ =	shalt  }
0x48: {  	_ =	shalt  }
0x49: {  	_ =	shalt  }
0x4a: {  	_ =	shalt  }
0x4b: {  	_ =	shalt  }
0x4c: {  	_ =	shalt  }
0x4d: {  	_ =	shalt  }
0x4e: {  	_ =	shalt  }
0x4f: {  	_ =	shalt  }
0x50: {  	_ =	shalt  }
0x51: {  	_ =	shalt  }
0x52: {  	_ =	shalt  }
0x53: {  	_ =	shalt  }
0x54: {  	_ =	shalt  }
0x55: {  	_ =	shalt  }
0x56: {  	_ =	shalt  }
0x57: {  	_ =	shalt  }
0x58: {  	_ =	shalt  }
0x59: {  	_ =	shalt  }
0x5a: {  	_ =	shalt  }
0x5b: {  	_ =	shalt  }
0x5c: {  	_ =	shalt  }
0x5d: {  	_ =	shalt  }
0x5e: {  	_ =	shalt  }
0x5f: {  	_ =	shalt  }
0x60: {  	_ =	shalt  }
0x61: {  	_ =	shalt  }
0x62: {  	_ =	shalt  }
0x63: {  	_ =	shalt  }
0x64: {  	_ =	shalt  }
0x65: {  	_ =	shalt  }
0x66: {  	_ =	shalt  }
0x67: {  	_ =	shalt  }
0x68: {  	_ =	shalt  }
0x69: {  	_ =	shalt  }
0x6a: {  	_ =	shalt  }
0x6b: {  	_ =	shalt  }
0x6c: {  	_ =	shalt  }
0x6d: {  	_ =	shalt  }
0x6e: {  	_ =	shalt  }
0x6f: {  	_ =	shalt  }
0x70: {  	_ =	shalt  }
0x71: {  	_ =	shalt  }
0x72: {  	_ =	shalt  }
0x73: {  	_ =	shalt  }
0x74: {  	_ =	shalt  }
0x75: {  	_ =	shalt  }
0x76: {  	_ =	shalt  }
0x77: {  	_ =	shalt  }
0x78: {  	_ =	shalt  }
0x79: {  	_ =	shalt  }
0x7a: {  	_ =	shalt  }
0x7b: {  	_ =	shalt  }
0x7c: {  	_ =	shalt  }
0x7d: {  	_ =	shalt  }
0x7e: {  	_ =	shalt  }
0x7f: {  	_ =	shalt  }
0x80: {  	_ =	shalt  }
0x81: {  	_ =	shalt  }
0x82: {  	_ =	shalt  }
0x83: {  	_ =	shalt  }
0x84: {  	_ =	shalt  }
0x85: {  	_ =	shalt  }
0x86: {  	_ =	shalt  }
0x87: {  	_ =	shalt  }
.Lfunc_end0:
.L_simem_size_0:
called_computation_lowered:
.L_overlay_start_0:
0x88: {  	s2 =	sld [smem:$0x3FD9]  }
0x89: {  	s3 =	sld [smem:$0x3FFE];
	_ =	sdelay $0x1  }
0x8a: {  	s1 =	srdreg.scid  }
0x8b: {  	s0 =	sand.u32 $0x1, s1  }
0x8c: {  	s17 =	sshll.u32 s0, $0xA;
	s2 =	sadd.s32 s3, s2  }
0x8d: {  	s2 =	sadd.s32 s2, s17  }
0x8e: {  	[smem:$0x3FC6] =	sst s2  }
0x8f: {  	_ = 	snop  }
0x90: {  	s2 =	sld [smem:$0x3FC9]  }
0x91: {  	s18 =	sld [smem:$0x3FD0];
	(tm) =	ssettm $0x1  }
0x92: {  	s4 =	sld [smem:$0x3FFB];
	_ =	sdelay $0x3  }
0x93: {  	_ =	strace s4  }
0x94: {  	s4 =	sld [smem:$0x3FFC];
	_ =	sdelay $0x3  }
0x95: {  	_ =	strace s4  }
0x96: {  	s4 =	sld [smem:$0x3FFD];
	_ =	sdelay $0x3  }
0x97: {  	_ =	strace s4  }
0x98: {  	_ =	strace $0x8FFFFFFF  }
0x99: {  	s19 =	sld [smem:$0x3FDB];
	_ =	sdelay $0x1  }
0x9a: {  	s5 =	simm.s32 $_scs_section_size  }
0x9b: {  	s6 =	simm.s32 $_size__tile_overlayer_lowered;
	s7 =	simm.s32 $_tile_overlayer_lowered  }
0x9c: {  	s22 =	simm.s32 $0x1BFF;
	s21 =	sshll.u32 s7, $0x1;
	s4 =	sadd.s32 s5, s19  }
0x9d: {  	s8 =	simm.s32 $0x0;
	s20 =	sshll.u32 s6, $0x1;
	s6 =	sadd.s32 s21, s4  }
0x9e: {  	[timem:s8], [sflag:s22] =	dma.local [hbm:s6], s20  }
0x9f: {  	_ =	swait.ge [sflag:s22], s20  }
0xa0: {  	s5 =	ssub.s32 $0x0, s20;
	[sflag:s22] =	ssyncset.done $0x0  }
0xa1: {  	[sflag:s22] =	ssyncadd.s32 s5;
	_ =	sdelay $0x1  }
0xa2: {  	s23 =	simm.s32 $0x1B8B  }
0xa3: {  	_ =	swait.ge [sflag:s23], $0x1  }
0xa4: {  	[sflag:s23] =	ssyncset.done $0x0  }
0xa5: {  	s25 =	simm.s32 $0x1B8E;
	s24 =	sld [smem:$0x3FFE];
	[sflag:s23] =	ssyncadd.s32 $0xFFFFFFFF  }
0xa6: {  	s26 =	simm.s32 $execute0_lowered;
	[smem:$0x3FD2] =	sst s25  }
0xa7: {  	s6 =	sshll.u32 s26, $0x1;
	_ =	strace $0x80000046;
	[dreg:$0x1] =	wrdreg $0xFFFFFFFF  }
0xa8: {  	s28 =	simm.s32 $_size_execute0_lowered;
	s4 =	sadd.s32 s4, s6;
	[dreg:$0x0] =	wrdreg $0x0  }
0xa9: {  	s6 =	sshll.u32 s28, $0x1;
	[dreg:$0x2] =	wrdreg s4  }
0xaa: {  	[dreg:$0x3] =	wrdreg s6  }
0xab: {  	[dreg:$0x4] =	wrdreg $0xC0  }
0xac: {  	_ =	task [dreg:s8], $0x5FFFF  }
0xad: {  	[dreg:$0x1] =	wrdreg $0xFFFFFFFF  }
0xae: {  	[dreg:$0x0] =	wrdreg $0x60  }
0xaf: {  	[dreg:$0x2] =	wrdreg s2  }
0xb0: {  	[dreg:$0x3] =	wrdreg s24  }
0xb1: {  	[dreg:$0x4] =	wrdreg s18  }
0xb2: {  	[dreg:$0x5] =	wrdreg $0x9  }
0xb3: {  	_ =	task.clear_ibuf [dreg:s8], $0x6FFFF;
	_ =	strace $0x90000046  }
0xb4: {  	s29 =	simm.s32 $0x9;
	_ =	strace $0x80000048  }
0xb5: {  	_ =	swait.ge [sflag:s29], $0x1  }
0xb6: {  	[sflag:s29] =	ssyncadd.s32 $0xFFFFFFFF  }
0xb7: {  	_ =	strace $0x90000048  }
0xb8: {  	_ =	sfence  }
0xb9: {  	s30 =	sld [smem:$0x0];
	_ =	sdelay $0x2  }
0xba: {  	s31 =	sshll.u32 s1, $0xD;
	s1 =	sshrl.u32 s1, $0x2  }
0xbb: {  	s3 =	sand.u32 $0x4000, s31;
	s1 =	sadd.s32 s1, s30  }
0xbc: {  	s0 =	sor.u32 s3, s0;
	s1 =	sshll.u32 s1, $0x11  }
0xbd: {  	s0 =	sor.u32 s1, s0  }
0xbe: {  	s0 =	sadd.s32 $0x8F2B, s0  }
0xbf: {  	[sflag:s0] =	ssyncadd.remote.s32 $0x1  }
0xc0: {  	_ =	sfence.sel $0xFFFF  }
0xc1: {  	[dreg:$0x0] =	wrdreg $0xFFFFFFFF;
	(pc) =	sbr.abs _section_cstart, $3  }
0xc2: {  	[dreg:$0x1] =	wrdreg $0xFFFFFFFF  }
0xc3: {  	_ =	task.clear_ibuf [dreg:s8], $0x2FFFF;
	_ =	strace $0x9FFFFFFF  }
0xc4: {  	(tm) =	ssettm $0x7FFFFFFF  }
0xc5: {  	_ =	shalt  }
tec
execute0_lowered:
.L_overlay_start_1:
0x0: {  	(tag) =	ssettag $0x1  }
0x1: {  	s4 =	rddreg [dreg:$0x0]  }
0x2: {  	s3 =	rddreg [dreg:$0x1]  }
0x3: {  	s5 =	rddreg [dreg:$0x2]  }
0x4: {  	s0 =	rddreg [dreg:$0x3]  }
0x5: {  	s2 =	simm.s32 $0x0;
	s6 =	srdreg.scid;
	s1 =	stileid.u32  }
0x6: {  	s10 =	simm.s32 $0x1A80;
	s11 =	simm.s32 $0x0;
	[smem:$0x7FF] =	sst s2  }
0x7: {  	s6 =	sand.u32 $0x1, s6;
	s8 =	sshll.u32 s1, $0xA;
	s3 =	sadd.s32 $0x400, s3  }
0x8: {  	_ =	strace $0x80000047;
	s7 =	ssub.s32 $0x2, s6;
	s6 =	sshll.u32 s6, $0x9  }
0x9: {  	s9 =	sshrl.u32 s7, $0x1;
	s6 =	sor.u32 s6, s8;
	s8 =	simm.s32 $0x1000  }
0xa: {  	s7 =	ssub.s32 s7, s9;
	s4 =	sadd.s32 s4, s6;
	s5 =	sadd.s32 s5, s6  }
0xb: {  	v0 =	vlaneseq.u32;
	v1 =	vimm.s32 $0x0;
	s9 =	simm.s32 $0x20000;
	s6 =	smax.u32 s7, $0x1;
	s7 =	simm.s32 $0x1  }
.LBB2_1:
0xc: {  	s12 =	simm.s32 $0x0  }
0xd: {  	v2 =	vor.u32 s12, v0  }
0xe: {  	v3 =	vmulhi.u32 $0x4EC4EC4F, v2;
	_ =	sdelay $0x1  }
0xf: {  	v3 =	vshrl.u32 v3, $0x3  }
0x10: {  	v4 =	vmul.u32 $0xFFFFFFE6, v3  }
0x11: {  	v5 =	vmov s12;
	v6 =	vsub.s32 $0x0, v2  }
0x12: {  	vm0 =	veq.s32 v5, v0;
	vm1 =	vne.s32 v4, v6  }
0x13: {  	vm0 =	vmand vm0, vm1  }
0x14: {  	v4 =	vsel vm0, $0xFFFFFFFF, v1  }
0x15: {  	v3 =	vadd.s32 v4, v3  }
0x16: {  	v4 =	vmul.u32 $0xFFFFFFE6, v3;
	_ =	sdelay $0x1  }
0x17: {  	v2 =	vadd.s32 v2, v4  }
0x18: {  	[tilespmem:s2], [sflag:$0x1] =	stream.linear.gather [hbm4b:s3+s2], $0x1A80, $0x38;
	v3 =	vadd.s32 v3, v2;
	v4 =	vshll.u32 v2, $0x9;
	v6 =	vshll.u32 v2, $0x7;
	[tilespmem:$0x5A80] =	vst v63  }
0x19: {  	_ =	swait.ge [sflag:s7], $0x1A80;
	v5 =	vmul.u32 $0x101, v2;
	v2 =	vand.u32 $0xFFFFF000, v4;
	v4 =	vand.u32 $0x380, v6  }
0x1a: {  	[sflag:s7] =	ssyncset.done $0x0;
	v6 =	vand.u32 $0x7F, v3;
	v3 =	vshll.u32 v3, $0x3;
	v2 =	vor.u32 v2, v4  }
0x1b: {  	[sflag:s7] =	ssyncadd.s32 $0xFFFFE580;
	v3 =	vand.u32 $0xC00, v3;
	v4 =	vadd.s32 $0x7F, v5;
	v2 =	vor.u32 v6, v2  }
0x1c: {  	[tilespmem:s10], [sflag:$0x1] =	stream.strided.gather [hbm4b:s4+s8], $0x4000, s9, s8, $0x38;
	v12 =	vor.u32 v3, v2;
	[tilespmem:$0x5A80] =	vst v63  }
0x1d: {  	s26 =	simm.s32 $0x10;
	_ =	swait.ge [sflag:s7], $0x4000  }
0x1e: {  	s13 =	simm.s32 $0x20;
	[sflag:s7] =	ssyncset.done $0x0;
	v2 =	vor.u32 s26, v0  }
0x1f: {  	s28 =	simm.s32 $0x30;
	[sflag:s7] =	ssyncadd.s32 $0xFFFFC000;
	v3 =	vor.u32 s13, v0;
	v6 =	vmulhi.u32 $0x4EC4EC4F, v2  }
0x20: {  	v7 =	vor.u32 s28, v0;
	v8 =	vmulhi.u32 $0x4EC4EC4F, v3;
	v9 =	vld.idx.msk [tilespmem:v4+s2+$0x0], $0xffff  }
0x21: {  	v11 =	vmulhi.u32 $0x4EC4EC4F, v7;
	v10 =	vld.idx.msk [tilespmem:v12+s10+$0x0], $0xffff  }
0x22: {  	v6 =	vshrl.u32 v6, $0x3;
	v8 =	vshrl.u32 v8, $0x3  }
0x23: {  	v11 =	vshrl.u32 v11, $0x3;
	v13 =	vmul.u32 $0xFFFFFFE6, v6;
	v14 =	vmul.u32 $0xFFFFFFE6, v8  }
0x24: {  	v15 =	vmul.u32 $0xFFFFFFE6, v11  }
0x25: {  	v2 =	vadd.s32 v2, v13;
	v3 =	vadd.s32 v3, v14  }
0x26: {  	v13 =	vadd.s32 v7, v15;
	v7 =	vadd.s32 $0xFFFFFFFF, v5;
	vm0 =	vlt.f32 v9, v10  }
0x27: {  	v14 =	vshll.u32 v2, $0x7;
	v15 =	vshll.u32 v3, $0x7;
	v4 =	vsel vm0, v4, v7  }
0x28: {  	v17 =	vshll.u32 v13, $0x9;
	v18 =	vshll.u32 v13, $0x7;
	v16 =	vadd.s32 $0x40, v4  }
0x29: {  	v6 =	vadd.s32 v6, v2;
	v8 =	vadd.s32 v8, v3;
	v11 =	vadd.s32 v11, v13  }
0x2a: {  	v14 =	vand.u32 $0x380, v14;
	v15 =	vand.u32 $0x380, v15;
	v17 =	vand.u32 $0xFFFFF000, v17  }
0x2b: {  	v18 =	vand.u32 $0x380, v18;
	v19 =	vand.u32 $0x7F, v6;
	v7 =	vshll.u32 v3, $0x9  }
0x2c: {  	v20 =	vand.u32 $0x7F, v8;
	v9 =	vshll.u32 v2, $0x9;
	v7 =	vand.u32 $0xFFFFF000, v7  }
0x2d: {  	v17 =	vor.u32 v17, v18;
	v9 =	vand.u32 $0xFFFFF000, v9;
	v7 =	vor.u32 v7, v15;
	v15 =	vld.idx.msk [tilespmem:v16+s2+$0x0], $0xffff  }
0x2e: {  	v9 =	vor.u32 v9, v14;
	v14 =	vshll.u32 v6, $0x3;
	v6 =	vmul.u32 $0x101, v2  }
0x2f: {  	v2 =	vshll.u32 v8, $0x3;
	v8 =	vor.u32 v19, v9;
	v9 =	vand.u32 $0xC00, v14  }
0x30: {  	v14 =	vand.u32 $0xC00, v2;
	v18 =	vor.u32 v20, v7;
	v2 =	vor.u32 v9, v8  }
0x31: {  	v7 =	vmul.u32 $0x101, v3;
	v3 =	vor.u32 v14, v18;
	v14 =	vadd.s32 $0x7F, v6  }
0x32: {  	v9 =	vand.u32 $0x7F, v11;
	vm0 =	vlt.f32 v15, v10  }
0x33: {  	v8 =	vmul.u32 $0x101, v13;
	v15 =	vadd.s32 $0x7F, v7;
	v16 =	vsel vm0, v16, v4  }
0x34: {  	v11 =	vshll.u32 v11, $0x3;
	v4 =	vor.u32 v9, v17;
	v17 =	vadd.s32 $0x20, v16  }
0x35: {  	v18 =	vadd.s32 $0x7F, v8;
	v13 =	vld.idx.msk [tilespmem:v2+s10+$0x0], $0xffff;
	v9 =	vand.u32 $0xC00, v11  }
0x36: {  	v19 =	vld.idx.msk [tilespmem:v14+s2+$0x0], $0xffff;
	v4 =	vor.u32 v9, v4  }
0x37: {  	v11 =	vld.idx.msk [tilespmem:v3+s10+$0x0], $0xffff  }
0x38: {  	v20 =	vld.idx.msk [tilespmem:v15+s2+$0x0], $0xffff  }
0x39: {  	v21 =	vld.idx.msk [tilespmem:v17+s2+$0x0], $0xffff  }
0x3a: {  	v22 =	vld.idx.msk [tilespmem:v18+s2+$0x0], $0xffff  }
0x3b: {  	v9 =	vld.idx.msk [tilespmem:v4+s10+$0x0], $0xffff  }
0x3c: {  	v23 =	vadd.s32 $0xFFFFFFFF, v6;
	vm0 =	vlt.f32 v19, v13  }
0x3d: {  	v19 =	vadd.s32 $0xFFFFFFFF, v7;
	v14 =	vsel vm0, v14, v23;
	vm1 =	vlt.f32 v20, v11  }
0x3e: {  	v15 =	vsel vm1, v15, v19;
	v19 =	vadd.s32 $0x40, v14;
	vm0 =	vlt.f32 v21, v10  }
0x3f: {  	v20 =	vadd.s32 $0x40, v15;
	v16 =	vsel vm0, v17, v16  }
0x40: {  	v17 =	vadd.s32 $0xFFFFFFFF, v8;
	vm0 =	vlt.f32 v22, v9;
	v21 =	vadd.s32 $0x10, v16  }
0x41: {  	v17 =	vsel vm0, v18, v17  }
0x42: {  	v18 =	vadd.s32 $0x40, v17  }
0x43: {  	v22 =	vld.idx.msk [tilespmem:v19+s2+$0x0], $0xffff  }
0x44: {  	v23 =	vld.idx.msk [tilespmem:v20+s2+$0x0], $0xffff  }
0x45: {  	v24 =	vld.idx.msk [tilespmem:v21+s2+$0x0], $0xffff;
	_ =	sdelay $0x1  }
0x46: {  	v25 =	vld.idx.msk [tilespmem:v18+s2+$0x0], $0xffff  }
0x47: {  	vm0 =	vlt.f32 v22, v13  }
0x48: {  	vm1 =	vlt.f32 v23, v11;
	v14 =	vsel vm0, v19, v14  }
0x49: {  	v19 =	vadd.s32 $0x20, v14;
	v15 =	vsel vm1, v20, v15;
	vm0 =	vlt.f32 v24, v10  }
0x4a: {  	v20 =	vadd.s32 $0x20, v15;
	v16 =	vsel vm0, v21, v16  }
0x4b: {  	vm0 =	vlt.f32 v25, v9;
	v21 =	vadd.s32 $0x8, v16  }
0x4c: {  	v17 =	vsel vm0, v18, v17  }
0x4d: {  	v18 =	vadd.s32 $0x20, v17  }
0x4e: {  	v22 =	vld.idx.msk [tilespmem:v19+s2+$0x0], $0xffff  }
0x4f: {  	v23 =	vld.idx.msk [tilespmem:v20+s2+$0x0], $0xffff  }
0x50: {  	v24 =	vld.idx.msk [tilespmem:v21+s2+$0x0], $0xffff;
	_ =	sdelay $0x1  }
0x51: {  	v25 =	vld.idx.msk [tilespmem:v18+s2+$0x0], $0xffff  }
0x52: {  	vm0 =	vlt.f32 v22, v13  }
0x53: {  	v14 =	vsel vm0, v19, v14;
	vm0 =	vlt.f32 v23, v11  }
0x54: {  	v19 =	vadd.s32 $0x10, v14;
	v15 =	vsel vm0, v20, v15;
	vm0 =	vlt.f32 v24, v10  }
0x55: {  	v20 =	vadd.s32 $0x10, v15;
	v16 =	vsel vm0, v21, v16  }
0x56: {  	vm0 =	vlt.f32 v25, v9;
	v21 =	vadd.s32 $0x4, v16  }
0x57: {  	v17 =	vsel vm0, v18, v17  }
0x58: {  	v18 =	vadd.s32 $0x10, v17  }
0x59: {  	v22 =	vld.idx.msk [tilespmem:v19+s2+$0x0], $0xffff  }
0x5a: {  	v23 =	vld.idx.msk [tilespmem:v20+s2+$0x0], $0xffff  }
0x5b: {  	v24 =	vld.idx.msk [tilespmem:v21+s2+$0x0], $0xffff;
	_ =	sdelay $0x1  }
0x5c: {  	v25 =	vld.idx.msk [tilespmem:v18+s2+$0x0], $0xffff  }
0x5d: {  	vm0 =	vlt.f32 v22, v13  }
0x5e: {  	v14 =	vsel vm0, v19, v14;
	vm0 =	vlt.f32 v23, v11  }
0x5f: {  	v19 =	vadd.s32 $0x8, v14;
	v15 =	vsel vm0, v20, v15;
	vm0 =	vlt.f32 v24, v10  }
0x60: {  	v20 =	vadd.s32 $0x8, v15;
	v16 =	vsel vm0, v21, v16  }
0x61: {  	vm0 =	vlt.f32 v25, v9;
	v21 =	vadd.s32 $0x2, v16  }
0x62: {  	v17 =	vsel vm0, v18, v17  }
0x63: {  	v18 =	vadd.s32 $0x8, v17  }
0x64: {  	v22 =	vld.idx.msk [tilespmem:v19+s2+$0x0], $0xffff  }
0x65: {  	v23 =	vld.idx.msk [tilespmem:v20+s2+$0x0], $0xffff  }
0x66: {  	v24 =	vld.idx.msk [tilespmem:v21+s2+$0x0], $0xffff;
	_ =	sdelay $0x1  }
0x67: {  	v25 =	vld.idx.msk [tilespmem:v18+s2+$0x0], $0xffff  }
0x68: {  	vm0 =	vlt.f32 v22, v13  }
0x69: {  	v14 =	vsel vm0, v19, v14;
	vm0 =	vlt.f32 v23, v11  }
0x6a: {  	v19 =	vadd.s32 $0x4, v14;
	v15 =	vsel vm0, v20, v15;
	vm0 =	vlt.f32 v24, v10  }
0x6b: {  	v20 =	vadd.s32 $0x4, v15;
	v16 =	vsel vm0, v21, v16  }
0x6c: {  	vm0 =	vlt.f32 v25, v9;
	v21 =	vadd.s32 $0x1, v16  }
0x6d: {  	v17 =	vsel vm0, v18, v17  }
0x6e: {  	v18 =	vadd.s32 $0x4, v17  }
0x6f: {  	v22 =	vld.idx.msk [tilespmem:v19+s2+$0x0], $0xffff  }
0x70: {  	v23 =	vld.idx.msk [tilespmem:v20+s2+$0x0], $0xffff  }
0x71: {  	v24 =	vld.idx.msk [tilespmem:v21+s2+$0x0], $0xffff;
	_ =	sdelay $0x1  }
0x72: {  	v25 =	vld.idx.msk [tilespmem:v18+s2+$0x0], $0xffff;
	_ =	sdelay $0x1  }
0x73: {  	vm0 =	vlt.f32 v22, v13  }
0x74: {  	v14 =	vsel vm0, v19, v14;
	vm0 =	vlt.f32 v23, v11;
	vm1 =	vlt.f32 v24, v10  }
0x75: {  	v19 =	vadd.s32 $0x2, v14;
	v15 =	vsel vm0, v20, v15;
	v16 =	vsel vm1, v21, v16  }
0x76: {  	v20 =	vadd.s32 $0x2, v15;
	vm0 =	vlt.f32 v25, v9;
	vm1 =	vgt.s32 v5, v16  }
0x77: {  	v17 =	vsel vm0, v18, v17;
	v18 =	vadd.s32 $0xFE, v5;
	v16 =	vsel vm1, v5, v16  }
0x78: {  	v21 =	vadd.s32 $0x2, v17;
	vm0 =	vlt.s32 v18, v16  }
0x79: {  	v16 =	vsel vm0, v18, v16  }
0x7a: {  	v18 =	vadd.s32 $0x1, v16  }
0x7b: {  	v22 =	vld.idx.msk [tilespmem:v19+s2+$0x0], $0xffff  }
0x7c: {  	v23 =	vld.idx.msk [tilespmem:v20+s2+$0x0], $0xffff  }
0x7d: {  	v24 =	vld.idx.msk [tilespmem:v21+s2+$0x0], $0xffff  }
0x7e: {  	v25 =	vld.idx.msk [tilespmem:v16+s2+$0x0], $0xffff  }
0x7f: {  	v18 =	vld.idx.msk [tilespmem:v18+s2+$0x0], $0xffff;
	_ =	sdelay $0x1  }
0x80: {  	vm0 =	vlt.f32 v22, v13  }
0x81: {  	v14 =	vsel vm0, v19, v14  }
0x82: {  	vm0 =	vlt.f32 v23, v11;
	v19 =	vadd.s32 $0x1, v14  }
0x83: {  	v15 =	vsel vm0, v20, v15;
	vm0 =	vlt.f32 v24, v9;
	v18 =	vsub.f32 v18, v25  }
0x84: {  	v20 =	vadd.s32 $0x1, v15;
	v17 =	vsel vm0, v21, v17  }
0x85: {  	v21 =	vadd.s32 $0x1, v17;
	vm0 =	veq.f32 v18, $0.0e+00  }
0x86: {  	v18 =	vsel vm0, $0x3F800000, v18  }
0x87: {  	(erf) = vrcp.f32 v18  }
0x88: {  	v22 =	vld.idx.msk [tilespmem:v19+s2+$0x0], $0xffff  }
0x89: {  	v18 =	vld.idx.msk [tilespmem:v20+s2+$0x0], $0xffff  }
0x8a: {  	v23 =	vld.idx.msk [tilespmem:v21+s2+$0x0], $0xffff;
	_ =	sdelay $0x1  }
0x8b: {  	v26 =	vadd.s32 $0xFE, v7;
	v5 =	vsub.s32 v16, v5  }
0x8c: {  	v5 =	vcvt.s32.f32 v5;
	v24 =	vadd.s32 $0xFE, v6;
	vm1 =	vlt.f32 v22, v13  }
0x8d: {  	v10 =	vsub.f32 v10, v25;
	v14 =	vsel vm1, v19, v14;
	vm1 =	vlt.f32 v18, v11  }
0x8e: {  	vm2 =	vgt.s32 v6, v14;
	v15 =	vsel vm1, v20, v15;
	vm1 =	vlt.f32 v23, v9  }
0x8f: {  	v14 =	vsel vm2, v6, v14;
	vm2 =	vgt.s32 v7, v15;
	v17 =	vsel vm1, v21, v17;
	v18 =	vpop (erf)  }
0x90: {  	vm1 =	vlt.s32 v24, v14;
	v15 =	vsel vm2, v7, v15;
	v10 =	vmul.f32 v18, v10  }
0x91: {  	vm2 =	vgt.s32 v8, v17;
	v14 =	vsel vm1, v24, v14;
	vm1 =	vlt.s32 v26, v15  }
0x92: {  	v16 =	vsel vm2, v8, v17;
	v17 =	vadd.s32 $0x1, v14;
	v10 =	vsel vm0, $0x3F000000, v10  }
0x93: {  	v22 =	vadd.s32 $0xFE, v8;
	v15 =	vsel vm1, v26, v15;
	v5 =	vadd.f32 v5, v10  }
0x94: {  	vm0 =	vlt.s32 v22, v16;
	v10 =	vadd.s32 $0x1, v15  }
0x95: {  	v16 =	vsel vm0, v22, v16;
	v5 =	vmul.f32 $3.906250000e-03, v5  }
0x96: {  	v19 =	vld.idx.msk [tilespmem:v14+s2+$0x0], $0xffff;
	v18 =	vadd.s32 $0x1, v16  }
0x97: {  	v17 =	vld.idx.msk [tilespmem:v17+s2+$0x0], $0xffff;
	v5 =	vmax.f32 v5, $0.0e+00  }
0x98: {  	v20 =	vld.idx.msk [tilespmem:v15+s2+$0x0], $0xffff;
	v21 =	vmin.f32 v5, $1.000000000e+00  }
0x99: {  	v5 =	vld.idx.msk [tilespmem:v10+s2+$0x0], $0xffff;
	v10 =	vmax.f32 v21, $9.999999970e-07  }
0x9a: {  	v22 =	vld.idx.msk [tilespmem:v16+s2+$0x0], $0xffff;
	v10 =	vmin.f32 v10, $9.999989860e-01  }
0x9b: {  	v18 =	vld.idx.msk [tilespmem:v18+s2+$0x0], $0xffff;
	v10 =	vadd.f32 v10, v10;
	_ =	sdelay $0x1  }
0x9c: {  	v28 =	vadd.f32 $-1.000000000e+00, v10  }
0x9d: {  	v17 =	vsub.f32 v17, v19;
	v5 =	vsub.f32 v5, v20  }
0x9e: {  	v10 =	vsub.f32 $1.000000000e+00, v28;
	v23 =	vadd.f32 $1.000000000e+00, v28  }
0x9f: {  	vm1 =	veq.f32 v17, $0.0e+00;
	v18 =	vsub.f32 v18, v22  }
0xa0: {  	v17 =	vsel vm1, $0x3F800000, v17;
	vm0 =	veq.f32 v5, $0.0e+00;
	v10 =	vmul.f32 v23, v10  }
0xa1: {  	(erf) = vrcp.f32 v17;
	v5 =	vsel vm0, $0x3F800000, v5;
	vm2 =	veq.f32 v18, $0.0e+00  }
0xa2: {  	(erf) = vrcp.f32 v5;
	v5 =	vsel vm2, $0x3F800000, v18;
	v17 =	vand.u32 $0x7FFFFF, v10  }
0xa3: {  	(erf) = vrcp.f32 v5;
	v5 =	vor.u32 $0x3F800000, v17  }
0xa4: {  	v5 =	vadd.f32 $-1.000000000e+00, v5;
	_ =	sdelay $0x1  }
0xa5: {  	v17 =	vmul.f32 $1.720806020e-02, v5  }
0xa6: {  	v6 =	vsub.s32 v14, v6  }
0xa7: {  	v6 =	vcvt.s32.f32 v6;
	v7 =	vsub.s32 v15, v7;
	v14 =	vadd.f32 $-8.172681180e-02, v17  }
0xa8: {  	v7 =	vcvt.s32.f32 v7;
	v8 =	vsub.s32 v16, v8;
	v13 =	vsub.f32 v13, v19  }
0xa9: {  	s14 =	simm.s32 $0x60;
	v8 =	vcvt.s32.f32 v8;
	v11 =	vsub.f32 v11, v20;
	v17 =	vpop (erf);
	v14 =	vmul.f32 v14, v5  }
0xaa: {  	v16 =	vor.u32 s14, v0;
	v9 =	vsub.f32 v9, v22;
	v13 =	vmul.f32 v17, v13;
	v15 =	vpop (erf)  }
0xab: {  	s31 =	simm.s32 $0x50;
	v10 =	vshra.s32 v10, $0x17;
	v11 =	vmul.f32 v15, v11;
	v15 =	vpop (erf);
	v14 =	vadd.f32 $1.887826770e-01, v14  }
0xac: {  	s30 =	simm.s32 $0x40;
	v13 =	vsel vm1, $0x3F000000, v13;
	v9 =	vmul.f32 v15, v9;
	v15 =	vor.u32 s31, v0  }
0xad: {  	v6 =	vadd.f32 v6, v13;
	v11 =	vsel vm0, $0x3F000000, v11;
	v13 =	vor.u32 s30, v0  }
0xae: {  	s29 =	simm.s32 $0x70;
	v17 =	vmulhi.u32 $0x4EC4EC4F, v15;
	v7 =	vadd.f32 v7, v11;
	v11 =	vmul.f32 v14, v5  }
0xaf: {  	v9 =	vsel vm2, $0x3F000000, v9;
	v14 =	vor.u32 s29, v0;
	v18 =	vsub.s32 $0x0, v13  }
0xb0: {  	v6 =	vmul.f32 $3.906250000e-03, v6;
	v8 =	vadd.f32 v8, v9;
	v9 =	vadd.f32 $-3.145905440e-01, v11  }
0xb1: {  	v17 =	vshrl.u32 v17, $0x3;
	v19 =	vmulhi.u32 $0x4EC4EC4F, v14;
	v7 =	vmul.f32 $3.906250000e-03, v7  }
0xb2: {  	v23 =	vmul.u32 $0xFFFFFFE6, v17;
	v8 =	vmul.f32 $3.906250000e-03, v8;
	v9 =	vmul.f32 v9, v5  }
0xb3: {  	v6 =	vmax.f32 v6, $0.0e+00;
	v19 =	vshrl.u32 v19, $0x3;
	v7 =	vmax.f32 v7, $0.0e+00  }
0xb4: {  	v26 =	vmin.f32 v6, $1.000000000e+00;
	v6 =	vmax.f32 v8, $0.0e+00;
	v8 =	vadd.f32 $4.969779250e-01, v9  }
0xb5: {  	v23 =	vadd.s32 v15, v23;
	v25 =	vmin.f32 v7, $1.000000000e+00;
	v7 =	vmax.f32 v26, $9.999999970e-07  }
0xb6: {  	v27 =	vmin.f32 v6, $1.000000000e+00;
	v6 =	vmin.f32 v7, $9.999989860e-01;
	v8 =	vmul.f32 v8, v5  }
0xb7: {  	v30 =	vmul.u32 $0xFFFFFFE6, v19;
	v17 =	vadd.s32 v17, v23;
	v6 =	vadd.f32 v6, v6  }
0xb8: {  	v9 =	vmax.f32 v25, $9.999999970e-07;
	v7 =	vmax.f32 v27, $9.999999970e-07;
	v8 =	vadd.f32 $-9.997924560e-01, v8  }
0xb9: {  	v9 =	vmin.f32 v9, $9.999989860e-01;
	v11 =	vadd.f32 $-1.000000000e+00, v6;
	v6 =	vadd.s32 $0xFFFFFF81, v10  }
0xba: {  	v7 =	vmin.f32 v7, $9.999989860e-01;
	v6 =	vcvt.s32.f32 v6;
	v5 =	vmul.f32 v8, v5  }
0xbb: {  	v9 =	vadd.f32 v9, v9;
	v7 =	vadd.f32 v7, v7;
	v8 =	vmulhi.u32 $0x4EC4EC4F, v13  }
0xbc: {  	vm6 =	vge.f32 v26, $1.000000000e+00;
	v6 =	vmul.f32 $6.931471820e-01, v6;
	v5 =	vadd.f32 $-3.507552040e-06, v5  }
0xbd: {  	v10 =	vadd.f32 $-1.000000000e+00, v9;
	v9 =	vadd.f32 $-1.000000000e+00, v7;
	v7 =	vshrl.u32 v8, $0x3  }
0xbe: {  	vm2 =	vle.f32 v26, $0.0e+00;
	v8 =	vmul.u32 $0xFFFFFFE6, v7;
	v29 =	vsub.f32 v5, v6  }
0xbf: {  	v35 =	vand.u32 $0x7F, v17;
	v5 =	vmulhi.u32 $0x4EC4EC4F, v16;
	v6 =	vmov s30  }
0xc0: {  	vm0 =	veq.s32 v6, v0;
	vm1 =	vne.s32 v8, v18;
	v6 =	vmax.f32 v29, $1.000000010e-10  }
0xc1: {  	vm0 =	vmand vm0, vm1;
	v8 =	vshra.s32 v6, $0x1;
	v18 =	vmul.f32 $5.000000000e-01, v6  }
0xc2: {  	vm7 =	vge.f32 v25, $1.000000000e+00;
	v20 =	vsel vm0, $0xFFFFFFFF, v1;
	v8 =	vsub.s32 $0x5F3759DF, v8  }
0xc3: {  	v22 =	vshrl.u32 v5, $0x3;
	v5 =	vadd.s32 v20, v7;
	v7 =	vmul.f32 v8, v18  }
0xc4: {  	v31 =	vsub.f32 $1.000000000e+00, v11;
	v40 =	vadd.f32 $1.000000000e+00, v11;
	v20 =	vmul.u32 $0xFFFFFFE6, v5  }
0xc5: {  	v41 =	vsub.f32 $1.000000000e+00, v10;
	v24 =	vmul.u32 $0xFFFFFFE6, v22;
	v7 =	vmul.f32 v8, v7  }
0xc6: {  	v31 =	vmul.f32 v40, v31;
	v36 =	vadd.f32 $-2.500000000e+00, v29;
	v20 =	vadd.s32 v13, v20  }
0xc7: {  	v16 =	vadd.s32 v16, v24;
	v5 =	vadd.s32 v5, v20;
	v7 =	vsub.f32 $1.500000000e+00, v7  }
0xc8: {  	v13 =	vmul.u32 $0x101, v20;
	v15 =	vshll.u32 v20, $0x9;
	v20 =	vshll.u32 v20, $0x7  }
0xc9: {  	v15 =	vand.u32 $0xFFFFF000, v15;
	v20 =	vand.u32 $0x380, v20;
	v7 =	vmul.f32 v8, v7  }
0xca: {  	v24 =	vshll.u32 v16, $0x9;
	v15 =	vor.u32 v15, v20;
	v8 =	vand.u32 $0x7F, v5  }
0xcb: {  	v5 =	vshll.u32 v5, $0x3;
	v8 =	vor.u32 v8, v15;
	v15 =	vmul.f32 v7, v18  }
0xcc: {  	v51 =	vshll.u32 v16, $0x7;
	v5 =	vand.u32 $0xC00, v5;
	v18 =	vadd.s32 $0x7F, v13  }
0xcd: {  	v22 =	vadd.s32 v22, v16;
	v5 =	vor.u32 v5, v8;
	v15 =	vmul.f32 v15, v7  }
0xce: {  	v16 =	vmul.u32 $0x101, v16;
	v24 =	vand.u32 $0xFFFFF000, v24;
	v20 =	vshll.u32 v23, $0x7  }
0xcf: {  	v52 =	vand.u32 $0x7F, v22;
	v20 =	vand.u32 $0x380, v20;
	v15 =	vsub.f32 $1.500000000e+00, v15  }
0xd0: {  	v8 =	vadd.s32 v14, v30;
	v14 =	vshll.u32 v23, $0x9;
	v30 =	vand.u32 $0x380, v51  }
0xd1: {  	v32 =	vshll.u32 v8, $0x9;
	v14 =	vand.u32 $0xFFFFF000, v14;
	v34 =	vld.idx.msk [tilespmem:v18+s2+$0x0], $0xffff;
	v7 =	vmul.f32 v15, v7  }
0xd2: {  	v33 =	vshll.u32 v8, $0x7;
	v19 =	vadd.s32 v19, v8;
	v20 =	vor.u32 v14, v20;
	v15 =	vld.idx.msk [tilespmem:v5+s10+$0x0], $0xffff  }
0xd3: {  	v14 =	vmul.u32 $0x101, v23;
	v23 =	vmul.f32 $3.974260210e-08, v36;
	v6 =	vmul.f32 v7, v6  }
0xd4: {  	v32 =	vand.u32 $0xFFFFF000, v32;
	v33 =	vand.u32 $0x380, v33;
	v54 =	vand.u32 $0x7F, v19  }
0xd5: {  	v19 =	vshll.u32 v19, $0x3;
	v23 =	vadd.f32 $4.854626350e-07, v23;
	v37 =	vadd.f32 $-3.000000000e+00, v6  }
0xd6: {  	v56 =	vadd.s32 $0x7F, v14;
	v7 =	vor.u32 v24, v30;
	v24 =	vshll.u32 v17, $0x3  }
0xd7: {  	v17 =	vadd.s32 $0xFFFFFFFF, v13;
	vm0 =	vlt.f32 v34, v15;
	v53 =	vmul.f32 $2.831457240e-04, v37  }
0xd8: {  	v23 =	vmul.f32 v23, v36;
	v6 =	vshll.u32 v22, $0x3;
	v18 =	vsel vm0, v18, v17  }
0xd9: {  	v22 =	vor.u32 v32, v33;
	v55 =	vadd.s32 $0x40, v18;
	v32 =	vsub.f32 $1.427656530e-04, v53  }
0xda: {  	v17 =	vmul.u32 $0x101, v8;
	v8 =	vor.u32 v35, v20;
	v20 =	vand.u32 $0xC00, v24  }
0xdb: {  	v30 =	vor.u32 v52, v7;
	v7 =	vor.u32 v20, v8;
	v24 =	vmul.f32 v32, v37  }
0xdc: {  	v57 =	vadd.s32 $0x7F, v16;
	v19 =	vand.u32 $0xC00, v19;
	v23 =	vadd.f32 $-4.982822700e-06, v23  }
0xdd: {  	v6 =	vand.u32 $0xC00, v6;
	v22 =	vor.u32 v54, v22;
	v24 =	vadd.f32 $1.908259470e-03, v24  }
0xde: {  	v8 =	vor.u32 v6, v30;
	v6 =	vor.u32 v19, v22;
	v19 =	vmul.f32 v23, v36;
	v20 =	vld.idx.msk [tilespmem:v55+s2+$0x0], $0xffff  }
0xdf: {  	v49 =	vand.u32 $0x7FFFFF, v31;
	v31 =	vshra.s32 v31, $0x17;
	v42 =	vld.idx.msk [tilespmem:v56+s2+$0x0], $0xffff;
	v23 =	vmul.f32 v24, v37  }
0xe0: {  	v62 =	vsub.f32 $1.000000000e+00, v9;
	v31 =	vadd.s32 $0xFFFFFF81, v31;
	v24 =	vadd.f32 $-6.210528230e-06, v19;
	v19 =	vld.idx.msk [tilespmem:v7+s10+$0x0], $0xffff  }
0xe1: {  	v31 =	vcvt.s32.f32 v31;
	v58 =	vadd.s32 $0x7F, v17;
	v23 =	vadd.f32 $-5.195012320e-03, v23  }
0xe2: {  	v48 =	vadd.f32 $1.000000000e+00, v9;
	v63 =	vor.u32 $0x3F800000, v49;
	v24 =	vmul.f32 v24, v36  }
0xe3: {  	v31 =	vmul.f32 $6.931471820e-01, v31;
	v46 =	vld.idx.msk [tilespmem:v57+s2+$0x0], $0xffff;
	vm0 =	vlt.f32 v20, v15;
	v23 =	vmul.f32 v23, v37  }
0xe4: {  	v20 =	vld.idx.msk [tilespmem:v8+s10+$0x0], $0xffff;
	v34 =	vsel vm0, v55, v18;
	v18 =	vadd.f32 $1.000000000e+00, v10;
	v44 =	vadd.f32 $3.091200200e-04, v24  }
0xe5: {  	v59 =	vadd.s32 $0xFFFFFFFF, v14;
	v43 =	vadd.s32 $0x20, v34;
	vm0 =	vlt.f32 v42, v19  }
0xe6: {  	v47 =	vld.idx.msk [tilespmem:v58+s2+$0x0], $0xffff;
	v45 =	vadd.f32 $8.116889740e-03, v23;
	v40 =	vmul.f32 v18, v41;
	v60 =	vmul.f32 v44, v36  }
0xe7: {  	v38 =	vadd.s32 $0xFFFFFFFF, v16;
	v39 =	vadd.s32 $0xFFFFFFFF, v17;
	v18 =	vld.idx.msk [tilespmem:v6+s10+$0x0], $0xffff;
	v30 =	vsel vm0, v56, v59  }
0xe8: {  	v61 =	vmul.f32 v45, v37;
	v50 =	vand.u32 $0x7FFFFF, v40;
	v41 =	vadd.f32 $-1.773034920e-03, v60  }
0xe9: {  	v45 =	vmul.f32 v48, v62;
	vm1 =	vlt.f32 v46, v20;
	v40 =	vshra.s32 v40, $0x17  }
0xea: {  	v54 =	vor.u32 $0x3F800000, v50;
	v32 =	vsel vm1, v57, v38;
	v44 =	vadd.f32 $-1.077978780e-02, v61;
	v52 =	vld.idx.msk [tilespmem:v43+s2+$0x0], $0xffff  }
0xeb: {  	v40 =	vadd.s32 $0xFFFFFF81, v40;
	v41 =	vmul.f32 v41, v36;
	v57 =	vand.u32 $0x7FFFFF, v45  }
0xec: {  	vm0 =	vlt.f32 v47, v18;
	v42 =	vor.u32 $0x3F800000, v57;
	v53 =	vmul.f32 v44, v37  }
0xed: {  	v47 =	vadd.f32 $-1.000000000e+00, v63;
	v33 =	vsel vm0, v58, v39;
	v39 =	vadd.s32 $0x40, v30  }
0xee: {  	v55 =	vadd.f32 $-5.908133930e-03, v41;
	v46 =	vadd.s32 $0x40, v33;
	v56 =	vadd.f32 $1.334857850e-02, v53  }
0xef: {  	v41 =	vadd.s32 $0x40, v32;
	v44 =	vadd.f32 $-1.000000000e+00, v54;
	vm0 =	vlt.f32 v52, v15  }
0xf0: {  	v35 =	vmul.f32 v55, v36;
	v38 =	vmul.f32 v56, v37;
	v34 =	vsel vm0, v43, v34  }
0xf1: {  	v42 =	vadd.f32 $-1.000000000e+00, v42;
	v62 =	vmul.f32 $1.720806020e-02, v44;
	v43 =	vadd.s32 $0x10, v34  }
0xf2: {  	v40 =	vcvt.s32.f32 v40;
	v35 =	vadd.f32 $3.488026560e-01, v35;
	v58 =	vld.idx.msk [tilespmem:v39+s2+$0x0], $0xffff;
	v38 =	vadd.f32 $1.416581030e+00, v38  }
0xf3: {  	v60 =	vmul.f32 $1.720806020e-02, v47;
	v63 =	vmul.f32 $1.720806020e-02, v42;
	v49 =	vadd.f32 $-8.172681180e-02, v62;
	v51 =	vld.idx.msk [tilespmem:v46+s2+$0x0], $0xffff  }
0xf4: {  	vm3 =	vle.f32 v25, $0.0e+00;
	v61 =	vld.idx.msk [tilespmem:v41+s2+$0x0], $0xffff;
	v35 =	vmul.f32 v35, v36;
	v59 =	vmul.f32 v38, v37  }
0xf5: {  	v50 =	vadd.f32 $-8.172681180e-02, v63;
	v55 =	vmul.f32 v49, v44;
	v37 =	vadd.f32 $-8.172681180e-02, v60  }
0xf6: {  	vm0 =	vlt.f32 v29, $5.000000000e+00;
	v35 =	vadd.f32 $2.123313670e+00, v35;
	v36 =	vadd.f32 $4.006434440e+00, v59;
	v29 =	vld.idx.msk [tilespmem:v43+s2+$0x0], $0xffff  }
0xf7: {  	v56 =	vmul.f32 v50, v42;
	v53 =	vmul.f32 v37, v47;
	v59 =	vadd.f32 $1.887826770e-01, v55  }
0xf8: {  	vm1 =	vlt.f32 v51, v18;
	v35 =	vsel vm0, v35, v36;
	vm0 =	vlt.f32 v58, v19  }
0xf9: {  	v33 =	vsel vm1, v46, v33;
	v30 =	vsel vm0, v39, v30;
	vm0 =	vlt.f32 v61, v20  }
0xfa: {  	v57 =	vadd.s32 $0x20, v30;
	v32 =	vsel vm0, v41, v32;
	v41 =	vmul.f32 v59, v44  }
0xfb: {  	v36 =	vadd.f32 $1.887826770e-01, v53;
	vm0 =	vlt.f32 v29, v15;
	v29 =	vadd.s32 $0x20, v32  }
0xfc: {  	v60 =	vadd.f32 $1.887826770e-01, v56;
	v58 =	vadd.s32 $0x20, v33;
	v41 =	vadd.f32 $-3.145905440e-01, v41  }
0xfd: {  	v28 =	vmul.f32 v35, v28;
	v36 =	vmul.f32 v36, v47;
	v34 =	vsel vm0, v43, v34  }
0xfe: {  	v43 =	vmul.f32 v60, v42;
	v61 =	vadd.s32 $0x8, v34;
	v41 =	vmul.f32 v41, v44  }
0xff: {  	vm1 =	vle.f32 v21, $0.0e+00;
	vm0 =	vge.f32 v21, $1.000000000e+00;
	v36 =	vadd.f32 $-3.145905440e-01, v36;
	v62 =	vld.idx.msk [tilespmem:v57+s2+$0x0], $0xffff  }
0x100: {  	v21 =	vsel vm0, $0x42C80000, v28;
	v43 =	vadd.f32 $-3.145905440e-01, v43;
	v28 =	vld.idx.msk [tilespmem:v29+s2+$0x0], $0xffff;
	v41 =	vadd.f32 $4.969779250e-01, v41  }
0x101: {  	v54 =	vshra.s32 v45, $0x17;
	v40 =	vmul.f32 $6.931471820e-01, v40;
	v36 =	vmul.f32 v36, v47  }
0x102: {  	v37 =	vadd.s32 $0xFFFFFF81, v54;
	v63 =	vld.idx.msk [tilespmem:v58+s2+$0x0], $0xffff;
	v43 =	vmul.f32 v43, v42;
	v55 =	vmul.f32 v41, v44  }
0x103: {  	v37 =	vcvt.s32.f32 v37;
	v21 =	vsel vm1, $0xC2C80000, v21;
	v36 =	vadd.f32 $4.969779250e-01, v36;
	v52 =	vld.idx.msk [tilespmem:v61+s2+$0x0], $0xffff  }
0x104: {  	v43 =	vadd.f32 $4.969779250e-01, v43;
	vm0 =	vlt.f32 v62, v19;
	v38 =	vadd.f32 $-9.997924560e-01, v55  }
0x105: {  	v30 =	vsel vm0, v57, v30;
	vm0 =	vlt.f32 v28, v20;
	v28 =	vmul.f32 v36, v47  }
0x106: {  	v57 =	vmul.f32 v43, v42;
	v53 =	vadd.s32 $0x10, v30;
	v29 =	vsel vm0, v29, v32  }
0x107: {  	vm0 =	vlt.f32 v63, v18;
	v38 =	vmul.f32 v38, v44;
	v28 =	vadd.f32 $-9.997924560e-01, v28  }
0x108: {  	vm1 =	vlt.f32 v52, v15;
	v32 =	vadd.s32 $0x10, v29;
	v41 =	vadd.f32 $-9.997924560e-01, v57  }
0x109: {  	v34 =	vsel vm1, v61, v34;
	v26 =	vadd.f32 $-3.507552040e-06, v38;
	v28 =	vmul.f32 v28, v47  }
0x10a: {  	v33 =	vsel vm0, v58, v33;
	v56 =	vadd.s32 $0x4, v34;
	v41 =	vmul.f32 v41, v42  }
0x10b: {  	v54 =	vadd.s32 $0x10, v33;
	v38 =	vsub.f32 v26, v40;
	v58 =	vld.idx.msk [tilespmem:v53+s2+$0x0], $0xffff;
	v28 =	vadd.f32 $-3.507552040e-06, v28  }
0x10c: {  	vm6 =	vmmov vm6;
	v37 =	vmul.f32 $6.931471820e-01, v37;
	v25 =	vadd.f32 $-3.507552040e-06, v41  }
0x10d: {  	vm8 =	vge.f32 v27, $1.000000000e+00;
	v59 =	vld.idx.msk [tilespmem:v32+s2+$0x0], $0xffff;
	v36 =	vmax.f32 v38, $1.000000010e-10;
	v28 =	vsub.f32 v28, v31  }
0x10e: {  	v31 =	vsub.f32 v25, v37;
	v26 =	vshra.s32 v36, $0x1;
	v43 =	vmul.f32 $5.000000000e-01, v36  }
0x10f: {  	vm4 =	vle.f32 v27, $0.0e+00;
	v61 =	vld.idx.msk [tilespmem:v56+s2+$0x0], $0xffff;
	v46 =	vsub.s32 $0x5F3759DF, v26;
	v40 =	vmax.f32 v28, $1.000000010e-10  }
0x110: {  	v60 =	vld.idx.msk [tilespmem:v54+s2+$0x0], $0xffff;
	v39 =	vmax.f32 v31, $1.000000010e-10;
	v57 =	vmul.f32 v46, v43;
	vm0 =	vlt.f32 v58, v19  }
0x111: {  	v25 =	vshra.s32 v40, $0x1;
	v42 =	vmul.f32 $5.000000000e-01, v40;
	v27 =	vshra.s32 v39, $0x1  }
0x112: {  	v47 =	vmul.f32 $5.000000000e-01, v39;
	v30 =	vsel vm0, v53, v30;
	vm0 =	vlt.f32 v59, v20  }
0x113: {  	v45 =	vsub.s32 $0x5F3759DF, v25;
	v58 =	vsub.s32 $0x5F3759DF, v27;
	v49 =	vmul.f32 v46, v57  }
0x114: {  	v37 =	vadd.s32 $0x8, v30;
	v29 =	vsel vm0, v32, v29;
	vm1 =	vlt.f32 v61, v15  }
0x115: {  	vm0 =	vlt.f32 v60, v18;
	v32 =	vadd.s32 $0x8, v29;
	v34 =	vsel vm1, v56, v34  }
0x116: {  	v26 =	vmul.f32 v45, v42;
	v52 =	vmul.f32 v58, v47;
	v41 =	vadd.s32 $0x2, v34  }
0x117: {  	v27 =	vadd.f32 $-2.500000000e+00, v28;
	v33 =	vsel vm0, v54, v33;
	v49 =	vsub.f32 $1.500000000e+00, v49  }
0x118: {  	v35 =	vadd.s32 $0x8, v33;
	v53 =	vmul.f32 v45, v26;
	v60 =	vmul.f32 v58, v52  }
0x119: {  	vm1 =	vlt.f32 v28, $5.000000000e+00;
	v28 =	vmul.f32 $3.974260210e-08, v27;
	v55 =	vmul.f32 v46, v49;
	v62 =	vld.idx.msk [tilespmem:v37+s2+$0x0], $0xffff  }
0x11a: {  	vm7 =	vmmov vm7;
	v61 =	vsub.f32 $1.500000000e+00, v53;
	v44 =	vsub.f32 $1.500000000e+00, v60;
	v63 =	vld.idx.msk [tilespmem:v32+s2+$0x0], $0xffff  }
0x11b: {  	v22 =	vadd.s32 $0xFE, v14;
	v28 =	vadd.f32 $4.854626350e-07, v28;
	v43 =	vmul.f32 v55, v43;
	v54 =	vld.idx.msk [tilespmem:v41+s2+$0x0], $0xffff  }
0x11c: {  	v25 =	vadd.f32 $-2.500000000e+00, v38;
	v45 =	vmul.f32 v45, v61;
	v44 =	vmul.f32 v58, v44  }
0x11d: {  	v26 =	vadd.f32 $-2.500000000e+00, v31;
	v28 =	vmul.f32 v28, v27;
	v59 =	vld.idx.msk [tilespmem:v35+s2+$0x0], $0xffff;
	v43 =	vmul.f32 v43, v55  }
0x11e: {  	v42 =	vmul.f32 v45, v42;
	v47 =	vmul.f32 v44, v47;
	vm0 =	vlt.f32 v62, v19  }
0x11f: {  	v28 =	vadd.f32 $-4.982822700e-06, v28;
	v30 =	vsel vm0, v37, v30;
	vm0 =	vlt.f32 v63, v20  }
0x120: {  	v52 =	vadd.s32 $0x4, v30;
	v29 =	vsel vm0, v32, v29;
	vm5 =	vlt.f32 v54, v15  }
0x121: {  	v43 =	vsub.f32 $1.500000000e+00, v43;
	v32 =	vadd.s32 $0x4, v29;
	v34 =	vsel vm5, v41, v34  }
0x122: {  	v62 =	vmul.f32 $3.974260210e-08, v25;
	vm0 =	vlt.f32 v59, v18;
	v56 =	vadd.s32 $0x1, v34  }
0x123: {  	v42 =	vmul.f32 v42, v45;
	v47 =	vmul.f32 v47, v44;
	v33 =	vsel vm0, v35, v33  }
0x124: {  	v63 =	vmul.f32 $3.974260210e-08, v26;
	v37 =	vadd.f32 $4.854626350e-07, v62;
	v35 =	vadd.s32 $0x4, v33  }
0x125: {  	v24 =	vadd.s32 $0xFE, v17;
	v59 =	vsub.f32 $1.500000000e+00, v42;
	v62 =	vsub.f32 $1.500000000e+00, v47;
	v57 =	vld.idx.msk [tilespmem:v52+s2+$0x0], $0xffff  }
0x126: {  	v48 =	vadd.f32 $4.854626350e-07, v63;
	v63 =	vmul.f32 v28, v27;
	v28 =	vmul.f32 v43, v55;
	v58 =	vld.idx.msk [tilespmem:v32+s2+$0x0], $0xffff  }
0x127: {  	vm0 =	vlt.f32 v38, $5.000000000e+00;
	v37 =	vmul.f32 v37, v25;
	v38 =	vmul.f32 v59, v45;
	v61 =	vld.idx.msk [tilespmem:v56+s2+$0x0], $0xffff  }
0x128: {  	v54 =	vadd.s32 $0xFE, v13;
	v49 =	vmul.f32 v62, v44;
	v28 =	vmul.f32 v28, v36  }
0x129: {  	v48 =	vmul.f32 v48, v26;
	v47 =	vadd.f32 $-6.210528230e-06, v63;
	v37 =	vadd.f32 $-4.982822700e-06, v37;
	v60 =	vld.idx.msk [tilespmem:v35+s2+$0x0], $0xffff  }
0x12a: {  	v38 =	vmul.f32 v38, v40;
	v28 =	vadd.f32 $-3.000000000e+00, v28;
	vm5 =	vlt.f32 v57, v19  }
0x12b: {  	v37 =	vmul.f32 v37, v25;
	v41 =	vsel vm5, v52, v30;
	vm5 =	vlt.f32 v58, v20  }
0x12c: {  	v53 =	vadd.s32 $0x2, v41;
	v32 =	vsel vm5, v32, v29;
	vm5 =	vlt.f32 v61, v15  }
0x12d: {  	v47 =	vmul.f32 v47, v27;
	v59 =	vmul.f32 $2.831457240e-04, v28;
	v29 =	vsel vm5, v56, v34  }
0x12e: {  	v37 =	vadd.f32 $-6.210528230e-06, v37;
	vm9 =	vlt.f32 v60, v18;
	vm5 =	vgt.s32 v13, v29  }
0x12f: {  	v33 =	vsel vm9, v35, v33;
	v35 =	vadd.s32 $0x2, v32;
	v55 =	vsel vm5, v13, v29  }
0x130: {  	v44 =	vsub.f32 $1.427656530e-04, v59;
	v34 =	vadd.s32 $0x2, v33;
	vm5 =	vlt.s32 v54, v55  }
0x131: {  	v57 =	vadd.f32 $-4.982822700e-06, v48;
	v30 =	vadd.f32 $-3.000000000e+00, v38;
	v58 =	vld.idx.msk [tilespmem:v53+s2+$0x0], $0xffff;
	v38 =	vsel vm5, v54, v55  }
0x132: {  	v37 =	vmul.f32 v37, v25;
	v44 =	vmul.f32 v44, v28;
	v62 =	vadd.s32 $0x1, v38  }
0x133: {  	v39 =	vmul.f32 v49, v39;
	v59 =	vadd.f32 $3.091200200e-04, v47;
	v42 =	vmul.f32 v57, v26  }
0x134: {  	v37 =	vadd.f32 $3.091200200e-04, v37;
	v44 =	vadd.f32 $1.908259470e-03, v44;
	v56 =	vmul.f32 $2.831457240e-04, v30;
	v60 =	vld.idx.msk [tilespmem:v35+s2+$0x0], $0xffff  }
0x135: {  	v23 =	vadd.s32 $0xFE, v16;
	v42 =	vadd.f32 $-6.210528230e-06, v42;
	v29 =	vadd.f32 $-3.000000000e+00, v39;
	v63 =	vld.idx.msk [tilespmem:v34+s2+$0x0], $0xffff  }
0x136: {  	v37 =	vmul.f32 v37, v25;
	v39 =	vsub.f32 $1.427656530e-04, v56;
	vm5 =	vlt.f32 v58, v19;
	v52 =	vld.idx.msk [tilespmem:v38+s2+$0x0], $0xffff  }
0x137: {  	v56 =	vmul.f32 v44, v28;
	v61 =	vmul.f32 $2.831457240e-04, v29;
	v36 =	vsel vm5, v53, v41;
	v53 =	vld.idx.msk [tilespmem:v62+s2+$0x0], $0xffff  }
0x138: {  	v42 =	vmul.f32 v42, v26;
	v37 =	vadd.f32 $-1.773034920e-03, v37;
	v39 =	vmul.f32 v39, v30  }
0x139: {  	v45 =	vsub.f32 $1.427656530e-04, v61;
	vm5 =	vlt.f32 v60, v20;
	v55 =	vadd.s32 $0x1, v36  }
0x13a: {  	v39 =	vadd.f32 $1.908259470e-03, v39;
	v32 =	vsel vm5, v35, v32;
	vm5 =	vlt.f32 v63, v18  }
0x13b: {  	v45 =	vmul.f32 v45, v29;
	v35 =	vadd.s32 $0x1, v32;
	v33 =	vsel vm5, v34, v33  }
0x13c: {  	v37 =	vmul.f32 v37, v25;
	v57 =	vadd.s32 $0x1, v33;
	v40 =	vsub.f32 v53, v52  }
0x13d: {  	v13 =	vsub.s32 v38, v13;
	v39 =	vmul.f32 v39, v30;
	v54 =	vadd.f32 $1.908259470e-03, v45  }
0x13e: {  	v13 =	vcvt.s32.f32 v13;
	v34 =	vadd.f32 $-5.195012320e-03, v56;
	v58 =	vld.idx.msk [tilespmem:v55+s2+$0x0], $0xffff;
	vm9 =	veq.f32 v40, $0.0e+00  }
0x13f: {  	v39 =	vadd.f32 $-5.195012320e-03, v39;
	v41 =	vmul.f32 v54, v29;
	v40 =	vsel vm9, $0x3F800000, v40  }
0x140: {  	v62 =	vadd.f32 $3.091200200e-04, v42;
	v34 =	vmul.f32 v34, v28;
	v60 =	vld.idx.msk [tilespmem:v35+s2+$0x0], $0xffff;
	(erf) = vrcp.f32 v40  }
0x141: {  	v63 =	vmul.f32 v59, v27;
	vm5 =	vlt.f32 v31, $5.000000000e+00;
	v41 =	vadd.f32 $-5.195012320e-03, v41;
	v61 =	vld.idx.msk [tilespmem:v57+s2+$0x0], $0xffff  }
0x142: {  	v56 =	vadd.f32 $-5.908133930e-03, v37;
	v39 =	vmul.f32 v39, v30;
	v34 =	vadd.f32 $8.116889740e-03, v34  }
0x143: {  	v31 =	vadd.f32 $-1.773034920e-03, v63;
	v41 =	vmul.f32 v41, v29;
	vm10 =	vlt.f32 v58, v19  }
0x144: {  	v15 =	vsub.f32 v15, v52;
	v34 =	vmul.f32 v34, v28;
	v36 =	vsel vm10, v55, v36  }
0x145: {  	v41 =	vadd.f32 $8.116889740e-03, v41;
	vm10 =	vlt.f32 v60, v20;
	vm11 =	vgt.s32 v14, v36  }
0x146: {  	v32 =	vsel vm10, v35, v32;
	vm10 =	vlt.f32 v61, v18;
	v42 =	vsel vm11, v14, v36  }
0x147: {  	vm11 =	vgt.s32 v16, v32;
	v33 =	vsel vm10, v57, v33;
	vm10 =	vlt.s32 v22, v42  }
0x148: {  	v40 =	vmul.f32 v62, v26;
	v32 =	vsel vm11, v16, v32;
	v22 =	vsel vm10, v22, v42  }
0x149: {  	v34 =	vadd.f32 $-1.077978780e-02, v34;
	vm10 =	vlt.s32 v23, v32;
	v44 =	vadd.s32 $0x1, v22;
	v46 =	vpop (erf)  }
0x14a: {  	vm11 =	vgt.s32 v17, v33;
	v23 =	vsel vm10, v23, v32;
	v15 =	vmul.f32 v46, v15  }
0x14b: {  	v41 =	vmul.f32 v41, v29;
	v33 =	vsel vm11, v17, v33;
	v45 =	vadd.s32 $0x1, v23  }
0x14c: {  	vm10 =	vlt.s32 v24, v33;
	v14 =	vsub.s32 v22, v14;
	v15 =	vsel vm9, $0x3F000000, v15  }
0x14d: {  	v24 =	vsel vm10, v24, v33;
	v16 =	vsub.s32 v23, v16;
	v22 =	vld.idx.msk [tilespmem:v22+s2+$0x0], $0xffff;
	v13 =	vadd.f32 v13, v15  }
0x14e: {  	v47 =	vadd.s32 $0x1, v24;
	v17 =	vsub.s32 v24, v17;
	v32 =	vld.idx.msk [tilespmem:v44+s2+$0x0], $0xffff;
	v15 =	vcvt.s32.f32 v16  }
0x14f: {  	v39 =	vadd.f32 $8.116889740e-03, v39;
	v16 =	vcvt.s32.f32 v17;
	v17 =	vld.idx.msk [tilespmem:v23+s2+$0x0], $0xffff;
	v13 =	vmul.f32 $3.906250000e-03, v13  }
0x150: {  	v31 =	vmul.f32 v31, v27;
	v49 =	vadd.f32 $-1.773034920e-03, v40;
	v34 =	vmul.f32 v34, v28;
	v35 =	vld.idx.msk [tilespmem:v45+s2+$0x0], $0xffff  }
0x151: {  	v39 =	vmul.f32 v39, v30;
	v48 =	vadd.f32 $-1.077978780e-02, v41;
	v13 =	vmax.f32 v13, $0.0e+00  }
0x152: {  	v52 =	vmul.f32 v49, v26;
	v34 =	vadd.f32 $1.334857850e-02, v34;
	v24 =	vld.idx.msk [tilespmem:v24+s2+$0x0], $0xffff;
	v13 =	vmin.f32 v13, $1.000000000e+00  }
0x153: {  	v23 =	vadd.f32 $-1.077978780e-02, v39;
	v33 =	vld.idx.msk [tilespmem:v47+s2+$0x0], $0xffff;
	v19 =	vsub.f32 v19, v22;
	v50 =	vmax.f32 v13, $9.999999970e-07  }
0x154: {  	v22 =	vsub.f32 v32, v22;
	v51 =	vsub.f32 v20, v17;
	v20 =	vmin.f32 v50, $9.999989860e-01  }
0x155: {  	v36 =	vmul.f32 v48, v29;
	v35 =	vsub.f32 v35, v17;
	v20 =	vadd.f32 v20, v20  }
0x156: {  	v34 =	vmul.f32 v34, v28;
	v23 =	vmul.f32 v23, v30;
	vm10 =	veq.f32 v22, $0.0e+00  }
0x157: {  	vm9 =	veq.f32 v35, $0.0e+00;
	v22 =	vsel vm10, $0x3F800000, v22;
	v17 =	vadd.f32 $-1.000000000e+00, v20  }
0x158: {  	v53 =	vsel vm9, $0x3F800000, v35;
	v20 =	vsub.f32 v33, v24;
	v24 =	vsub.f32 v18, v24  }
0x159: {  	(erf) = vrcp.f32 v22;
	v18 =	vsub.f32 $1.000000000e+00, v17;
	v54 =	vadd.f32 $1.000000000e+00, v17  }
0x15a: {  	v22 =	vadd.f32 $1.334857850e-02, v36;
	(erf) = vrcp.f32 v53;
	vm11 =	veq.f32 v20, $0.0e+00  }
0x15b: {  	v14 =	vcvt.s32.f32 v14;
	v55 =	vsel vm11, $0x3F800000, v20;
	v20 =	vmul.f32 v54, v18  }
0x15c: {  	v23 =	vadd.f32 $1.334857850e-02, v23;
	v22 =	vmul.f32 v22, v29;
	(erf) = vrcp.f32 v55  }
0x15d: {  	v34 =	vadd.f32 $1.416581030e+00, v34;
	v32 =	vadd.f32 $-5.908133930e-03, v52;
	v57 =	vand.u32 $0x7FFFFF, v20  }
0x15e: {  	v58 =	vmul.f32 v23, v30;
	v22 =	vadd.f32 $1.416581030e+00, v22;
	v23 =	vor.u32 $0x3F800000, v57  }
0x15f: {  	v28 =	vmul.f32 v34, v28;
	v18 =	vadd.f32 $-5.908133930e-03, v31;
	v23 =	vadd.f32 $-1.000000000e+00, v23  }
0x160: {  	v32 =	vmul.f32 v32, v26;
	v59 =	vadd.f32 $1.416581030e+00, v58;
	v31 =	vmul.f32 v56, v25  }
0x161: {  	vm8 =	vmmov vm8;
	v18 =	vmul.f32 v18, v27;
	v60 =	vmul.f32 $1.720806020e-02, v23  }
0x162: {  	v30 =	vmul.f32 v59, v30;
	v29 =	vmul.f32 v22, v29;
	v31 =	vadd.f32 $3.488026560e-01, v31;
	v61 =	vpop (erf)  }
0x163: {  	v18 =	vadd.f32 $3.488026560e-01, v18;
	v19 =	vmul.f32 v61, v19;
	v22 =	vpop (erf);
	v35 =	vadd.f32 $-8.172681180e-02, v60  }
0x164: {  	v32 =	vadd.f32 $3.488026560e-01, v32;
	v25 =	vmul.f32 v31, v25;
	v22 =	vmul.f32 v22, v51  }
0x165: {  	v33 =	vadd.f32 $4.006434440e+00, v30;
	v27 =	vmul.f32 v18, v27;
	v63 =	vpop (erf);
	v62 =	vmul.f32 v35, v23  }
0x166: {  	v18 =	vadd.f32 $4.006434440e+00, v28;
	v19 =	vsel vm10, $0x3F000000, v19;
	v24 =	vmul.f32 v63, v24  }
0x167: {  	v14 =	vadd.f32 v14, v19;
	v19 =	vsel vm9, $0x3F000000, v22;
	v28 =	vadd.f32 $1.887826770e-01, v62  }
0x168: {  	v22 =	vmul.f32 v32, v26;
	v15 =	vadd.f32 v15, v19;
	v19 =	vsel vm11, $0x3F000000, v24  }
0x169: {  	v14 =	vmul.f32 $3.906250000e-03, v14;
	v16 =	vadd.f32 v16, v19;
	v24 =	vmul.f32 v28, v23  }
0x16a: {  	v34 =	vadd.f32 $2.123313670e+00, v27;
	v27 =	vadd.f32 $2.123313670e+00, v25;
	v26 =	vmul.f32 $3.906250000e-03, v15  }
0x16b: {  	v14 =	vmax.f32 v14, $0.0e+00;
	v16 =	vmul.f32 $3.906250000e-03, v16;
	v24 =	vadd.f32 $-3.145905440e-01, v24  }
0x16c: {  	v15 =	vmin.f32 v14, $1.000000000e+00;
	v14 =	vmax.f32 v26, $0.0e+00;
	v19 =	vadd.f32 $4.006434440e+00, v29  }
0x16d: {  	v14 =	vmin.f32 v14, $1.000000000e+00;
	v16 =	vmax.f32 v16, $0.0e+00;
	v24 =	vmul.f32 v24, v23  }
0x16e: {  	v25 =	vmax.f32 v15, $9.999999970e-07;
	v26 =	vmax.f32 v14, $9.999999970e-07;
	v16 =	vmin.f32 v16, $1.000000000e+00  }
0x16f: {  	v25 =	vmin.f32 v25, $9.999989860e-01;
	v28 =	vmax.f32 v16, $9.999999970e-07;
	v24 =	vadd.f32 $4.969779250e-01, v24  }
0x170: {  	[tilespmem:v12+s10+$0x0] =	vst.idx.msk $0xffff, v21;
	v12 =	vadd.f32 v25, v25;
	v21 =	vmin.f32 v26, $9.999989860e-01;
	v26 =	vmin.f32 v28, $9.999989860e-01  }
0x171: {  	s12 =	simm.s32 $0x4;
	s13 =	simm.s32 $0xB0;
	v21 =	vadd.f32 v21, v21;
	v25 =	vmul.f32 v24, v23;
	v24 =	vadd.f32 v26, v26  }
.LBB2_2:
0x172: {  	v26 =	vor.u32 s13, v0;
	v37 =	vadd.f32 $-1.000000000e+00, v12;
	v38 =	vadd.f32 $2.123313670e+00, v22  }
0x173: {  	s14 =	sadd.s32 $0xFFFFFFD0, s13;
	s15 =	sadd.s32 $0xFFFFFFE0, s13;
	s16 =	sadd.s32 $0xFFFFFFF0, s13;
	vm11 =	vmmov vm2;
	vm10 =	vmmov vm3;
	vm9 =	vmmov vm4  }
0x174: {  	v20 =	vshra.s32 v20, $0x17;
	v12 =	vor.u32 s14, v0;
	v22 =	vadd.f32 $-9.997924560e-01, v25  }
0x175: {  	s12 =	sadd.s32 $0x4, s12;
	v28 =	vor.u32 s15, v0;
	v20 =	vadd.s32 $0xFFFFFF81, v20;
	v25 =	vmulhi.u32 $0x4EC4EC4F, v12  }
0x176: {  	v29 =	vor.u32 s16, v0;
	p0 =	slt.u32 s12, $0x33C;
	v20 =	vcvt.s32.f32 v20;
	v22 =	vmul.f32 v22, v23  }
0x177: {  	v35 =	vadd.f32 $-1.000000000e+00, v21;
	v36 =	vadd.f32 $-1.000000000e+00, v24;
	v23 =	vmulhi.u32 $0x4EC4EC4F, v28  }
0x178: {  	v21 =	vshrl.u32 v25, $0x3;
	v20 =	vmul.f32 $6.931471820e-01, v20;
	v22 =	vadd.f32 $-3.507552040e-06, v22  }
0x179: {  	v25 =	vmulhi.u32 $0x4EC4EC4F, v29;
	v24 =	vmul.u32 $0xFFFFFFE6, v21;
	v23 =	vshrl.u32 v23, $0x3  }
0x17a: {  	v30 =	vmov s14;
	v31 =	vsub.s32 $0x0, v12;
	v40 =	vsub.f32 v22, v20  }
0x17b: {  	vm2 =	veq.s32 v30, v0;
	vm3 =	vne.s32 v24, v31;
	v20 =	vmulhi.u32 $0x4EC4EC4F, v26  }
0x17c: {  	v22 =	vshrl.u32 v25, $0x3;
	vm2 =	vmand vm2, vm3;
	v24 =	vmax.f32 v40, $1.000000010e-10  }
0x17d: {  	v25 =	vsel vm2, $0xFFFFFFFF, v1;
	v30 =	vshra.s32 v24, $0x1;
	v31 =	vmul.f32 $5.000000000e-01, v24  }
0x17e: {  	v21 =	vadd.s32 v25, v21;
	v25 =	vshrl.u32 v20, $0x3;
	v20 =	vsub.s32 $0x5F3759DF, v30  }
0x17f: {  	v32 =	vmul.u32 $0xFFFFFFE6, v23;
	v30 =	vmul.u32 $0xFFFFFFE6, v21;
	v39 =	vmul.f32 v20, v31  }
0x180: {  	v42 =	vsub.f32 $1.000000000e+00, v37;
	v41 =	vmul.u32 $0xFFFFFFE6, v22;
	v43 =	vmul.u32 $0xFFFFFFE6, v25  }
0x181: {  	v28 =	vadd.s32 v28, v32;
	v30 =	vadd.s32 v12, v30;
	v32 =	vmul.f32 v20, v39  }
0x182: {  	v29 =	vadd.s32 v29, v41;
	v21 =	vadd.s32 v21, v30;
	v12 =	vmul.u32 $0x101, v30  }
0x183: {  	v39 =	vshll.u32 v30, $0x9;
	v30 =	vshll.u32 v30, $0x7;
	v32 =	vsub.f32 $1.500000000e+00, v32  }
0x184: {  	v41 =	vand.u32 $0x7F, v21;
	v39 =	vand.u32 $0xFFFFF000, v39;
	v30 =	vand.u32 $0x380, v30  }
0x185: {  	v21 =	vshll.u32 v21, $0x3;
	v30 =	vor.u32 v39, v30;
	v32 =	vmul.f32 v20, v32  }
0x186: {  	v20 =	vand.u32 $0xC00, v21;
	v21 =	vor.u32 v41, v30;
	v30 =	vadd.s32 $0x7F, v12  }
0x187: {  	v26 =	vadd.s32 v26, v43;
	v41 =	vor.u32 v20, v21;
	v20 =	vmul.f32 v32, v31  }
0x188: {  	v39 =	vshll.u32 v29, $0x9;
	v21 =	vshll.u32 v28, $0x9;
	v31 =	vshll.u32 v28, $0x7  }
0x189: {  	v43 =	vshll.u32 v29, $0x7;
	v44 =	vshll.u32 v26, $0x9;
	v20 =	vmul.f32 v20, v32  }
0x18a: {  	v45 =	vshll.u32 v26, $0x7;
	v21 =	vand.u32 $0xFFFFF000, v21;
	v31 =	vand.u32 $0x380, v31  }
0x18b: {  	v43 =	vand.u32 $0x380, v43;
	v39 =	vand.u32 $0xFFFFF000, v39;
	v46 =	vld.idx.msk [tilespmem:v30+s2+$0x0], $0xffff;
	v47 =	vsub.f32 $1.500000000e+00, v20  }
0x18c: {  	v23 =	vadd.s32 v23, v28;
	v22 =	vadd.s32 v22, v29;
	v44 =	vand.u32 $0xFFFFF000, v44;
	v20 =	vld.idx.msk [tilespmem:v41+s10+$0x0], $0xffff  }
0x18d: {  	v25 =	vadd.s32 v25, v26;
	v45 =	vand.u32 $0x380, v45;
	v32 =	vmul.f32 v47, v32  }
0x18e: {  	v39 =	vor.u32 v39, v43;
	v31 =	vor.u32 v21, v31;
	v47 =	vand.u32 $0x7F, v23  }
0x18f: {  	v43 =	vand.u32 $0x7F, v22;
	v23 =	vshll.u32 v23, $0x3;
	v24 =	vmul.f32 v32, v24  }
0x190: {  	v21 =	vmul.u32 $0x101, v28;
	v28 =	vshll.u32 v22, $0x3;
	v32 =	vor.u32 v44, v45  }
0x191: {  	v22 =	vmul.u32 $0x101, v29;
	v44 =	vadd.f32 $-2.500000000e+00, v40;
	v45 =	vadd.f32 $-3.000000000e+00, v24  }
0x192: {  	v29 =	vand.u32 $0x7F, v25;
	v24 =	vadd.s32 $0xFFFFFFFF, v12;
	vm2 =	vlt.f32 v46, v20  }
0x193: {  	v46 =	vsel vm2, v30, v24;
	v30 =	vmul.f32 $3.974260210e-08, v44;
	v48 =	vmul.f32 $2.831457240e-04, v45  }
0x194: {  	v25 =	vshll.u32 v25, $0x3;
	v24 =	vmul.u32 $0x101, v26;
	v49 =	vadd.s32 $0x40, v46  }
0x195: {  	v26 =	vor.u32 v47, v31;
	v30 =	vadd.f32 $4.854626350e-07, v30;
	v31 =	vsub.f32 $1.427656530e-04, v48  }
0x196: {  	v43 =	vor.u32 v43, v39;
	v28 =	vand.u32 $0xC00, v28;
	v23 =	vand.u32 $0xC00, v23  }
0x197: {  	v32 =	vor.u32 v29, v32;
	v30 =	vmul.f32 v30, v44;
	v31 =	vmul.f32 v31, v45  }
0x198: {  	v29 =	vor.u32 v28, v43;
	v39 =	vor.u32 v23, v26;
	v23 =	vand.u32 $0xC00, v25  }
0x199: {  	v28 =	vor.u32 v23, v32;
	v23 =	vadd.f32 $-4.982822700e-06, v30;
	v43 =	vld.idx.msk [tilespmem:v49+s2+$0x0], $0xffff;
	v25 =	vadd.f32 $1.908259470e-03, v31  }
0x19a: {  	v47 =	vadd.s32 $0x7F, v21;
	v50 =	vadd.s32 $0x7F, v24;
	v48 =	vadd.s32 $0x7F, v22  }
0x19b: {  	v51 =	vadd.s32 $0xFFFFFFFF, v21;
	v23 =	vmul.f32 v23, v44;
	v26 =	vmul.f32 v25, v45  }
0x19c: {  	v52 =	vadd.s32 $0xFFFFFFFF, v22;
	v53 =	vadd.s32 $0xFFFFFFFF, v24;
	v30 =	vadd.s32 $0xFE, v21  }
0x19d: {  	v31 =	vadd.s32 $0xFE, v22;
	v54 =	vadd.f32 $-6.210528230e-06, v23;
	v25 =	vld.idx.msk [tilespmem:v39+s10+$0x0], $0xffff;
	v55 =	vadd.f32 $-5.195012320e-03, v26  }
0x19e: {  	v56 =	vadd.f32 $1.000000000e+00, v37;
	v57 =	vsub.f32 $1.000000000e+00, v35;
	v32 =	vadd.s32 $0xFE, v24;
	v26 =	vld.idx.msk [tilespmem:v29+s10+$0x0], $0xffff  }
0x19f: {  	vm2 =	vlt.f32 v43, v20;
	v43 =	vmul.f32 v54, v44;
	v23 =	vld.idx.msk [tilespmem:v28+s10+$0x0], $0xffff;
	v54 =	vmul.f32 v55, v45  }
0x1a0: {  	v58 =	vsub.f32 $1.000000000e+00, v36;
	v46 =	vsel vm2, v49, v46;
	v55 =	vadd.f32 $1.000000000e+00, v35;
	v49 =	vld.idx.msk [tilespmem:v47+s2+$0x0], $0xffff  }
0x1a1: {  	v59 =	vadd.s32 $0x20, v46;
	v43 =	vadd.f32 $3.091200200e-04, v43;
	v60 =	vld.idx.msk [tilespmem:v48+s2+$0x0], $0xffff;
	v54 =	vadd.f32 $8.116889740e-03, v54  }
0x1a2: {  	v56 =	vmul.f32 v56, v42;
	v42 =	vadd.f32 $1.000000000e+00, v36;
	v55 =	vmul.f32 v55, v57;
	v61 =	vld.idx.msk [tilespmem:v50+s2+$0x0], $0xffff  }
0x1a3: {  	v33 =	vsel vm1, v34, v33;
	v43 =	vmul.f32 v43, v44;
	v54 =	vmul.f32 v54, v45  }
0x1a4: {  	v34 =	vand.u32 $0x7FFFFF, v56;
	v58 =	vmul.f32 v42, v58;
	v57 =	vand.u32 $0x7FFFFF, v55  }
0x1a5: {  	v34 =	vor.u32 $0x3F800000, v34;
	v42 =	vadd.f32 $-1.773034920e-03, v43;
	v43 =	vadd.f32 $-1.077978780e-02, v54  }
0x1a6: {  	vm1 =	vlt.f32 v49, v25;
	v49 =	vor.u32 $0x3F800000, v57;
	v57 =	vand.u32 $0x7FFFFF, v58;
	v54 =	vld.idx.msk [tilespmem:v59+s2+$0x0], $0xffff  }
0x1a7: {  	vm2 =	vlt.f32 v60, v26;
	v42 =	vmul.f32 v42, v44;
	v43 =	vmul.f32 v43, v45  }
0x1a8: {  	v47 =	vsel vm1, v47, v51;
	v48 =	vsel vm2, v48, v52;
	vm1 =	vlt.f32 v61, v23  }
0x1a9: {  	v50 =	vsel vm1, v50, v53;
	v42 =	vadd.f32 $-5.908133930e-03, v42;
	v43 =	vadd.f32 $1.334857850e-02, v43  }
0x1aa: {  	v51 =	vadd.s32 $0x40, v47;
	v52 =	vadd.s32 $0x40, v48;
	v53 =	vadd.s32 $0x40, v50  }
0x1ab: {  	v57 =	vor.u32 $0x3F800000, v57;
	v42 =	vmul.f32 v42, v44;
	v60 =	vmul.f32 v43, v45  }
0x1ac: {  	vm1 =	vlt.f32 v54, v20;
	v43 =	vadd.f32 $-1.000000000e+00, v34;
	v34 =	vadd.f32 $-1.000000000e+00, v49  }
0x1ad: {  	v46 =	vsel vm1, v59, v46;
	v49 =	vadd.f32 $3.488026560e-01, v42;
	v54 =	vadd.f32 $1.416581030e+00, v60  }
0x1ae: {  	v42 =	vadd.f32 $-1.000000000e+00, v57;
	v59 =	vadd.s32 $0x10, v46;
	v60 =	vmul.f32 $1.720806020e-02, v43  }
0x1af: {  	v44 =	vmul.f32 v49, v44;
	v49 =	vshra.s32 v56, $0x17;
	v57 =	vld.idx.msk [tilespmem:v51+s2+$0x0], $0xffff;
	v45 =	vmul.f32 v54, v45  }
0x1b0: {  	v61 =	vmul.f32 $1.720806020e-02, v42;
	v56 =	vadd.f32 $-8.172681180e-02, v60;
	v60 =	vmul.f32 $1.720806020e-02, v34;
	v54 =	vld.idx.msk [tilespmem:v52+s2+$0x0], $0xffff  }
0x1b1: {  	v55 =	vshra.s32 v55, $0x17;
	v44 =	vadd.f32 $2.123313670e+00, v44;
	v62 =	vld.idx.msk [tilespmem:v53+s2+$0x0], $0xffff;
	v45 =	vadd.f32 $4.006434440e+00, v45  }
0x1b2: {  	vm1 =	vlt.f32 v40, $5.000000000e+00;
	v40 =	vadd.f32 $-8.172681180e-02, v60;
	v60 =	vadd.f32 $-8.172681180e-02, v61  }
0x1b3: {  	v61 =	vld.idx.msk [tilespmem:v59+s2+$0x0], $0xffff;
	v44 =	vsel vm1, v44, v45;
	v45 =	vmul.f32 v56, v43;
	v56 =	vshra.s32 v58, $0x17  }
0x1b4: {  	v40 =	vmul.f32 v40, v34;
	v17 =	vmul.f32 v44, v17;
	v44 =	vadd.s32 $0xFFFFFF81, v49  }
0x1b5: {  	vm2 =	vge.f32 v13, $1.000000000e+00;
	vm1 =	vlt.f32 v57, v25;
	v49 =	vmul.f32 v60, v42  }
0x1b6: {  	vm4 =	vle.f32 v13, $0.0e+00;
	vm3 =	vlt.f32 v54, v26;
	v13 =	vsel vm2, $0x42C80000, v17  }
0x1b7: {  	v17 =	vsel vm1, v51, v47;
	vm1 =	vlt.f32 v62, v23;
	v13 =	vsel vm4, $0xC2C80000, v13  }
0x1b8: {  	v48 =	vsel vm3, v52, v48;
	v47 =	vadd.s32 $0x20, v17;
	v50 =	vsel vm1, v53, v50;
	[tilespmem:v5+s10+$0x0] =	vst.idx.msk $0xffff, v13  }
0x1b9: {  	vm1 =	vlt.f32 v61, v20;
	v13 =	vadd.s32 $0x20, v48;
	v51 =	vadd.s32 $0x20, v50;
	v5 =	vmovc v41  }
0x1ba: {  	v45 =	vadd.f32 $1.887826770e-01, v45;
	v40 =	vadd.f32 $1.887826770e-01, v40;
	v41 =	vsel vm1, v59, v46  }
0x1bb: {  	v52 =	vadd.s32 $0xFFFFFF81, v55;
	v49 =	vadd.f32 $1.887826770e-01, v49;
	v46 =	vadd.s32 $0x8, v41  }
0x1bc: {  	v45 =	vmul.f32 v45, v43;
	v40 =	vmul.f32 v40, v34;
	v53 =	vadd.s32 $0xFFFFFF81, v56  }
0x1bd: {  	v18 =	vsel vm0, v27, v18;
	v44 =	vcvt.s32.f32 v44;
	v49 =	vmul.f32 v49, v42;
	v54 =	vld.idx.msk [tilespmem:v47+s2+$0x0], $0xffff  }
0x1be: {  	v52 =	vcvt.s32.f32 v52;
	v45 =	vadd.f32 $-3.145905440e-01, v45;
	v40 =	vadd.f32 $-3.145905440e-01, v40;
	v27 =	vld.idx.msk [tilespmem:v13+s2+$0x0], $0xffff  }
0x1bf: {  	v44 =	vmul.f32 $6.931471820e-01, v44;
	v53 =	vcvt.s32.f32 v53;
	v49 =	vadd.f32 $-3.145905440e-01, v49;
	v55 =	vld.idx.msk [tilespmem:v51+s2+$0x0], $0xffff  }
0x1c0: {  	v19 =	vsel vm5, v38, v19;
	v45 =	vmul.f32 v45, v43;
	v40 =	vmul.f32 v40, v34;
	v56 =	vld.idx.msk [tilespmem:v46+s2+$0x0], $0xffff  }
0x1c1: {  	vm13 =	vge.f32 v15, $1.000000000e+00;
	v38 =	vmul.f32 $6.931471820e-01, v52;
	v49 =	vmul.f32 v49, v42  }
0x1c2: {  	v52 =	vmul.f32 $6.931471820e-01, v53;
	v45 =	vadd.f32 $4.969779250e-01, v45;
	v40 =	vadd.f32 $4.969779250e-01, v40  }
0x1c3: {  	v33 =	vmul.f32 v33, v11;
	v11 =	vmovc v37;
	v49 =	vadd.f32 $4.969779250e-01, v49;
	vm0 =	vlt.f32 v54, v25  }
0x1c4: {  	v37 =	vsel vm0, v47, v17;
	vm0 =	vlt.f32 v27, v26;
	v17 =	vmul.f32 v45, v43  }
0x1c5: {  	v27 =	vadd.s32 $0x10, v37;
	v45 =	vsel vm0, v13, v48;
	vm0 =	vlt.f32 v55, v23  }
0x1c6: {  	vm1 =	vlt.f32 v56, v20;
	v47 =	vadd.s32 $0x10, v45;
	v48 =	vsel vm0, v51, v50  }
0x1c7: {  	v13 =	vmul.f32 v40, v34;
	v41 =	vsel vm1, v46, v41;
	v46 =	vadd.s32 $0x10, v48  }
0x1c8: {  	v49 =	vmul.f32 v49, v42;
	v17 =	vadd.f32 $-9.997924560e-01, v17;
	v40 =	vadd.s32 $0x4, v41  }
0x1c9: {  	v18 =	vmul.f32 v18, v10;
	v19 =	vmul.f32 v19, v9;
	v10 =	vmovc v35;
	v9 =	vmovc v36;
	v13 =	vadd.f32 $-9.997924560e-01, v13  }
0x1ca: {  	vm14 =	vge.f32 v14, $1.000000000e+00;
	v36 =	vadd.f32 $-9.997924560e-01, v49;
	v17 =	vmul.f32 v17, v43;
	v35 =	vld.idx.msk [tilespmem:v27+s2+$0x0], $0xffff  }
0x1cb: {  	vm12 =	vge.f32 v16, $1.000000000e+00;
	v33 =	vsel vm6, $0x42C80000, v33;
	v34 =	vmul.f32 v13, v34;
	v43 =	vld.idx.msk [tilespmem:v47+s2+$0x0], $0xffff  }
0x1cc: {  	v36 =	vmul.f32 v36, v42;
	v13 =	vsel vm7, $0x42C80000, v18;
	v50 =	vadd.f32 $-3.507552040e-06, v17;
	v49 =	vld.idx.msk [tilespmem:v46+s2+$0x0], $0xffff  }
0x1cd: {  	vm2 =	vle.f32 v15, $0.0e+00;
	v17 =	vsel vm8, $0x42C80000, v19;
	v15 =	vadd.f32 $-3.507552040e-06, v34;
	v18 =	vld.idx.msk [tilespmem:v40+s2+$0x0], $0xffff  }
0x1ce: {  	vm3 =	vle.f32 v14, $0.0e+00;
	v14 =	vadd.f32 $-3.507552040e-06, v36;
	v19 =	vsub.f32 v50, v44  }
0x1cf: {  	vm4 =	vle.f32 v16, $0.0e+00;
	v34 =	vsub.f32 v15, v38;
	v15 =	vsel vm11, $0xC2C80000, v33  }
0x1d0: {  	v33 =	vsub.f32 v14, v52;
	vm0 =	vlt.f32 v35, v25;
	v35 =	vmax.f32 v19, $1.000000010e-10;
	[tilespmem:v2+s10+$0x0] =	vst.idx.msk $0xffff, v15  }
0x1d1: {  	v36 =	vmax.f32 v34, $1.000000010e-10;
	v27 =	vsel vm0, v27, v37;
	vm0 =	vlt.f32 v43, v26;
	v2 =	vmovc v7;
	v7 =	vmovc v39  }
0x1d2: {  	v37 =	vadd.s32 $0x8, v27;
	v38 =	vsel vm0, v47, v45;
	vm0 =	vlt.f32 v49, v23  }
0x1d3: {  	vm1 =	vlt.f32 v18, v20;
	v18 =	vadd.s32 $0x8, v38;
	v39 =	vsel vm0, v46, v48  }
0x1d4: {  	v42 =	vmax.f32 v33, $1.000000010e-10;
	v40 =	vsel vm1, v40, v41;
	v41 =	vadd.s32 $0x8, v39  }
0x1d5: {  	v14 =	vshra.s32 v35, $0x1;
	v44 =	vmul.f32 $5.000000000e-01, v35;
	v43 =	vadd.s32 $0x2, v40  }
0x1d6: {  	v16 =	vshra.s32 v42, $0x1;
	v15 =	vshra.s32 v36, $0x1;
	v45 =	vmul.f32 $5.000000000e-01, v36  }
0x1d7: {  	v47 =	vsub.s32 $0x5F3759DF, v14;
	v49 =	vmul.f32 $5.000000000e-01, v42;
	v48 =	vsub.s32 $0x5F3759DF, v15;
	v46 =	vld.idx.msk [tilespmem:v37+s2+$0x0], $0xffff  }
0x1d8: {  	v52 =	vsub.s32 $0x5F3759DF, v16;
	v14 =	vmul.f32 v47, v44;
	v51 =	vmul.f32 v48, v45;
	v50 =	vld.idx.msk [tilespmem:v18+s2+$0x0], $0xffff  }
0x1d9: {  	v16 =	vadd.f32 $-2.500000000e+00, v19;
	v15 =	vadd.f32 $-2.500000000e+00, v34;
	v54 =	vmul.f32 v52, v49;
	v53 =	vld.idx.msk [tilespmem:v41+s2+$0x0], $0xffff  }
0x1da: {  	v56 =	vmul.f32 v47, v14;
	v14 =	vadd.f32 $-2.500000000e+00, v33;
	v51 =	vmul.f32 v48, v51;
	v55 =	vld.idx.msk [tilespmem:v43+s2+$0x0], $0xffff  }
0x1db: {  	v57 =	vmul.f32 $3.974260210e-08, v16;
	vm1 =	vlt.f32 v19, $5.000000000e+00;
	v19 =	vmul.f32 v52, v54  }
0x1dc: {  	v54 =	vsub.f32 $1.500000000e+00, v56;
	v56 =	vmul.f32 $3.974260210e-08, v15;
	v51 =	vsub.f32 $1.500000000e+00, v51  }
0x1dd: {  	v19 =	vsub.f32 $1.500000000e+00, v19;
	vm0 =	vlt.f32 v46, v25;
	v46 =	vmul.f32 $3.974260210e-08, v14  }
0x1de: {  	v27 =	vsel vm0, v37, v27;
	vm0 =	vlt.f32 v50, v26;
	v37 =	vmul.f32 v47, v54  }
0x1df: {  	v47 =	vadd.s32 $0x4, v27;
	v18 =	vsel vm0, v18, v38;
	vm0 =	vlt.f32 v53, v23  }
0x1e0: {  	vm5 =	vlt.f32 v55, v20;
	v38 =	vadd.s32 $0x4, v18;
	v39 =	vsel vm0, v41, v39  }
0x1e1: {  	v40 =	vsel vm5, v43, v40;
	v41 =	vadd.s32 $0x4, v39;
	v43 =	vmul.f32 v48, v51  }
0x1e2: {  	v19 =	vmul.f32 v52, v19;
	v44 =	vmul.f32 v37, v44;
	v48 =	vadd.s32 $0x1, v40  }
0x1e3: {  	v50 =	vadd.f32 $4.854626350e-07, v57;
	v51 =	vadd.f32 $4.854626350e-07, v56;
	v45 =	vmul.f32 v43, v45  }
0x1e4: {  	v49 =	vmul.f32 v19, v49;
	v46 =	vadd.f32 $4.854626350e-07, v46;
	v44 =	vmul.f32 v44, v37;
	v52 =	vld.idx.msk [tilespmem:v47+s2+$0x0], $0xffff  }
0x1e5: {  	v50 =	vmul.f32 v50, v16;
	vm0 =	vlt.f32 v34, $5.000000000e+00;
	v45 =	vmul.f32 v45, v43;
	v53 =	vld.idx.msk [tilespmem:v38+s2+$0x0], $0xffff  }
0x1e6: {  	v49 =	vmul.f32 v49, v19;
	v51 =	vmul.f32 v51, v15;
	v44 =	vsub.f32 $1.500000000e+00, v44;
	v34 =	vld.idx.msk [tilespmem:v41+s2+$0x0], $0xffff  }
0x1e7: {  	v46 =	vmul.f32 v46, v14;
	v50 =	vadd.f32 $-4.982822700e-06, v50;
	v45 =	vsub.f32 $1.500000000e+00, v45;
	v54 =	vld.idx.msk [tilespmem:v48+s2+$0x0], $0xffff  }
0x1e8: {  	v49 =	vsub.f32 $1.500000000e+00, v49;
	v37 =	vmul.f32 v44, v37;
	v44 =	vadd.f32 $-4.982822700e-06, v51  }
0x1e9: {  	v50 =	vmul.f32 v50, v16;
	v43 =	vmul.f32 v45, v43;
	v45 =	vadd.f32 $-4.982822700e-06, v46  }
0x1ea: {  	v19 =	vmul.f32 v49, v19;
	v35 =	vmul.f32 v37, v35;
	vm5 =	vlt.f32 v52, v25  }
0x1eb: {  	v37 =	vsel vm5, v47, v27;
	vm5 =	vlt.f32 v53, v26;
	v36 =	vmul.f32 v43, v36  }
0x1ec: {  	v43 =	vadd.s32 $0x2, v37;
	v38 =	vsel vm5, v38, v18;
	vm5 =	vlt.f32 v34, v23  }
0x1ed: {  	vm6 =	vlt.f32 v54, v20;
	v34 =	vadd.s32 $0x2, v38;
	v39 =	vsel vm5, v41, v39  }
0x1ee: {  	v19 =	vmul.f32 v19, v42;
	v40 =	vsel vm6, v48, v40;
	v41 =	vadd.s32 $0x2, v39  }
0x1ef: {  	v27 =	vadd.f32 $-3.000000000e+00, v35;
	v18 =	vadd.f32 $-3.000000000e+00, v36;
	vm5 =	vgt.s32 v12, v40  }
0x1f0: {  	v19 =	vadd.f32 $-3.000000000e+00, v19;
	v35 =	vadd.s32 $0xFE, v12;
	v36 =	vsel vm5, v12, v40  }
0x1f1: {  	v42 =	vmul.f32 $2.831457240e-04, v27;
	v46 =	vmul.f32 $2.831457240e-04, v18;
	vm5 =	vlt.s32 v35, v36;
	v40 =	vld.idx.msk [tilespmem:v43+s2+$0x0], $0xffff  }
0x1f2: {  	v44 =	vmul.f32 v44, v15;
	v47 =	vmul.f32 $2.831457240e-04, v19;
	v35 =	vsel vm5, v35, v36;
	v36 =	vld.idx.msk [tilespmem:v34+s2+$0x0], $0xffff  }
0x1f3: {  	v42 =	vsub.f32 $1.427656530e-04, v42;
	v46 =	vsub.f32 $1.427656530e-04, v46;
	v48 =	vadd.s32 $0x1, v35;
	v49 =	vld.idx.msk [tilespmem:v41+s2+$0x0], $0xffff  }
0x1f4: {  	v50 =	vadd.f32 $-6.210528230e-06, v50;
	v45 =	vmul.f32 v45, v14;
	v47 =	vsub.f32 $1.427656530e-04, v47  }
0x1f5: {  	v44 =	vadd.f32 $-6.210528230e-06, v44;
	v42 =	vmul.f32 v42, v27;
	v46 =	vmul.f32 v46, v18  }
0x1f6: {  	v50 =	vmul.f32 v50, v16;
	v45 =	vadd.f32 $-6.210528230e-06, v45;
	v47 =	vmul.f32 v47, v19  }
0x1f7: {  	vm5 =	vlt.f32 v40, v25;
	v40 =	vadd.f32 $1.908259470e-03, v42;
	v42 =	vadd.f32 $1.908259470e-03, v46;
	v51 =	vld.idx.msk [tilespmem:v35+s2+$0x0], $0xffff  }
0x1f8: {  	v37 =	vsel vm5, v43, v37;
	vm5 =	vlt.f32 v36, v26;
	v36 =	vadd.f32 $1.908259470e-03, v47;
	v46 =	vld.idx.msk [tilespmem:v48+s2+$0x0], $0xffff  }
0x1f9: {  	v43 =	vadd.s32 $0x1, v37;
	v34 =	vsel vm5, v34, v38;
	vm5 =	vlt.f32 v49, v23  }
0x1fa: {  	v40 =	vmul.f32 v40, v27;
	v38 =	vadd.s32 $0x1, v34;
	v39 =	vsel vm5, v41, v39  }
0x1fb: {  	v42 =	vmul.f32 v42, v18;
	v36 =	vmul.f32 v36, v19;
	v41 =	vadd.s32 $0x1, v39  }
0x1fc: {  	v44 =	vmul.f32 v44, v15;
	v45 =	vmul.f32 v45, v14;
	v40 =	vadd.f32 $-5.195012320e-03, v40  }
0x1fd: {  	vm5 =	vlt.f32 v33, $5.000000000e+00;
	v42 =	vadd.f32 $-5.195012320e-03, v42;
	v36 =	vadd.f32 $-5.195012320e-03, v36  }
0x1fe: {  	v47 =	vadd.f32 $3.091200200e-04, v50;
	v40 =	vmul.f32 v40, v27;
	v33 =	vsub.f32 v46, v51;
	v46 =	vld.idx.msk [tilespmem:v43+s2+$0x0], $0xffff  }
0x1ff: {  	v44 =	vadd.f32 $3.091200200e-04, v44;
	v42 =	vmul.f32 v42, v18;
	v36 =	vmul.f32 v36, v19;
	v48 =	vld.idx.msk [tilespmem:v38+s2+$0x0], $0xffff  }
0x200: {  	v45 =	vadd.f32 $3.091200200e-04, v45;
	v40 =	vadd.f32 $8.116889740e-03, v40;
	vm6 =	veq.f32 v33, $0.0e+00;
	v49 =	vld.idx.msk [tilespmem:v41+s2+$0x0], $0xffff  }
0x201: {  	v42 =	vadd.f32 $8.116889740e-03, v42;
	v36 =	vadd.f32 $8.116889740e-03, v36;
	v33 =	vsel vm6, $0x3F800000, v33  }
0x202: {  	v13 =	vsel vm10, $0xC2C80000, v13;
	(erf) = vrcp.f32 v33;
	v33 =	vmul.f32 v40, v27  }
0x203: {  	v36 =	vmul.f32 v36, v19;
	v40 =	vmul.f32 v42, v18;
	[tilespmem:v3+s10+$0x0] =	vst.idx.msk $0xffff, v13;
	v13 =	vsel vm9, $0xC2C80000, v17  }
0x204: {  	v42 =	vmul.f32 v44, v15;
	vm7 =	vlt.f32 v46, v25;
	v17 =	vmul.f32 v47, v16;
	v3 =	vmovc v8  }
0x205: {  	v8 =	vmovc v29;
	v37 =	vsel vm7, v43, v37;
	vm7 =	vlt.f32 v48, v26;
	v43 =	vmul.f32 v45, v14  }
0x206: {  	vm8 =	vgt.s32 v21, v37;
	v29 =	vsel vm7, v38, v34;
	vm7 =	vlt.f32 v49, v23  }
0x207: {  	v34 =	vsel vm8, v21, v37;
	vm8 =	vgt.s32 v22, v29;
	v37 =	vsel vm7, v41, v39  }
0x208: {  	vm7 =	vlt.s32 v30, v34;
	v29 =	vsel vm8, v22, v29;
	vm8 =	vgt.s32 v24, v37  }
0x209: {  	v30 =	vsel vm7, v30, v34;
	vm7 =	vlt.s32 v31, v29;
	v38 =	vsel vm8, v24, v37  }
0x20a: {  	v20 =	vsub.f32 v20, v51;
	v29 =	vsel vm7, v31, v29;
	vm7 =	vlt.s32 v32, v38  }
0x20b: {  	v31 =	vadd.s32 $0x1, v30;
	v37 =	vadd.s32 $0x1, v29;
	v32 =	vsel vm7, v32, v38;
	v34 =	vpop (erf);
	[tilespmem:v4+s10+$0x0] =	vst.idx.msk $0xffff, v13  }
0x20c: {  	v12 =	vsub.s32 v35, v12;
	v4 =	vmovc v6;
	v6 =	vmovc v28;
	v13 =	vmul.f32 v34, v20;
	v20 =	vadd.s32 $0x1, v32  }
0x20d: {  	v12 =	vcvt.s32.f32 v12;
	v21 =	vsub.s32 v30, v21;
	v22 =	vsub.s32 v29, v22  }
0x20e: {  	v21 =	vcvt.s32.f32 v21;
	v24 =	vsub.s32 v32, v24;
	v13 =	vsel vm6, $0x3F000000, v13;
	v28 =	vld.idx.msk [tilespmem:v30+s2+$0x0], $0xffff  }
0x20f: {  	v22 =	vcvt.s32.f32 v22;
	v24 =	vcvt.s32.f32 v24;
	v12 =	vadd.f32 v12, v13;
	v29 =	vld.idx.msk [tilespmem:v29+s2+$0x0], $0xffff  }
0x210: {  	vm6 =	vmmov vm13;
	v13 =	vadd.f32 $-1.077978780e-02, v33;
	v30 =	vld.idx.msk [tilespmem:v31+s2+$0x0], $0xffff;
	v31 =	vadd.f32 $-1.077978780e-02, v40  }
0x211: {  	v17 =	vadd.f32 $-1.773034920e-03, v17;
	v34 =	vadd.f32 $-1.077978780e-02, v36;
	v12 =	vmul.f32 $3.906250000e-03, v12;
	v33 =	vld.idx.msk [tilespmem:v37+s2+$0x0], $0xffff  }
0x212: {  	v36 =	vadd.f32 $-1.773034920e-03, v42;
	v35 =	vmul.f32 v13, v27;
	v37 =	vadd.f32 $-1.773034920e-03, v43;
	v20 =	vld.idx.msk [tilespmem:v20+s2+$0x0], $0xffff  }
0x213: {  	v34 =	vmul.f32 v34, v19;
	v31 =	vmul.f32 v31, v18;
	v12 =	vmax.f32 v12, $0.0e+00;
	v32 =	vld.idx.msk [tilespmem:v32+s2+$0x0], $0xffff  }
0x214: {  	v13 =	vmin.f32 v12, $1.000000000e+00;
	v12 =	vsub.f32 v25, v28;
	v25 =	vmul.f32 v17, v16  }
0x215: {  	v36 =	vmul.f32 v36, v15;
	v26 =	vsub.f32 v26, v29;
	v17 =	vmax.f32 v13, $9.999999970e-07  }
0x216: {  	v28 =	vsub.f32 v30, v28;
	v30 =	vmul.f32 v37, v14;
	v17 =	vmin.f32 v17, $9.999989860e-01  }
0x217: {  	vm7 =	vmmov vm14;
	v29 =	vsub.f32 v33, v29;
	v17 =	vadd.f32 v17, v17  }
0x218: {  	v31 =	vadd.f32 $1.334857850e-02, v31;
	v33 =	vadd.f32 $1.334857850e-02, v35;
	vm10 =	veq.f32 v28, $0.0e+00  }
0x219: {  	vm9 =	veq.f32 v29, $0.0e+00;
	v20 =	vsub.f32 v20, v32;
	v17 =	vadd.f32 $-1.000000000e+00, v17  }
0x21a: {  	v28 =	vsel vm10, $0x3F800000, v28;
	v32 =	vsub.f32 v23, v32;
	v29 =	vsel vm9, $0x3F800000, v29  }
0x21b: {  	vm11 =	veq.f32 v20, $0.0e+00;
	v23 =	vsub.f32 $1.000000000e+00, v17;
	v35 =	vadd.f32 $1.000000000e+00, v17  }
0x21c: {  	v37 =	vsel vm11, $0x3F800000, v20;
	(erf) = vrcp.f32 v28;
	v28 =	vadd.f32 $1.334857850e-02, v34  }
0x21d: {  	v20 =	vmul.f32 v35, v23;
	(erf) = vrcp.f32 v29;
	v23 =	vadd.f32 $-5.908133930e-03, v25  }
0x21e: {  	v25 =	vadd.f32 $-5.908133930e-03, v36;
	v29 =	vadd.f32 $-5.908133930e-03, v30;
	(erf) = vrcp.f32 v37  }
0x21f: {  	v31 =	vmul.f32 v31, v18;
	v33 =	vmul.f32 v33, v27;
	v30 =	vand.u32 $0x7FFFFF, v20  }
0x220: {  	v28 =	vmul.f32 v28, v19;
	v34 =	vmul.f32 v23, v16;
	v30 =	vor.u32 $0x3F800000, v30  }
0x221: {  	v25 =	vmul.f32 v25, v15;
	v29 =	vmul.f32 v29, v14;
	v23 =	vadd.f32 $-1.000000000e+00, v30  }
0x222: {  	vm8 =	vmmov vm12;
	v31 =	vadd.f32 $1.416581030e+00, v31;
	v30 =	vadd.f32 $1.416581030e+00, v33  }
0x223: {  	v36 =	vadd.f32 $1.416581030e+00, v28;
	v34 =	vadd.f32 $3.488026560e-01, v34;
	v35 =	vmul.f32 $1.720806020e-02, v23  }
0x224: {  	v25 =	vadd.f32 $3.488026560e-01, v25;
	v29 =	vadd.f32 $3.488026560e-01, v29;
	v27 =	vmul.f32 v30, v27  }
0x225: {  	v18 =	vmul.f32 v31, v18;
	v19 =	vmul.f32 v36, v19;
	v30 =	vadd.f32 $-8.172681180e-02, v35;
	v33 =	vpop (erf)  }
0x226: {  	v16 =	vmul.f32 v34, v16;
	v12 =	vmul.f32 v33, v12;
	v28 =	vpop (erf);
	v33 =	vadd.f32 $4.006434440e+00, v27  }
0x227: {  	v18 =	vadd.f32 $4.006434440e+00, v18;
	v27 =	vmul.f32 v30, v23;
	v26 =	vmul.f32 v28, v26;
	v28 =	vpop (erf)  }
0x228: {  	v25 =	vmul.f32 v25, v15;
	v12 =	vsel vm10, $0x3F000000, v12;
	v28 =	vmul.f32 v28, v32  }
0x229: {  	v15 =	vadd.f32 $1.887826770e-01, v27;
	v12 =	vadd.f32 v21, v12;
	v21 =	vsel vm9, $0x3F000000, v26  }
0x22a: {  	v21 =	vadd.f32 v22, v21;
	v26 =	vsel vm11, $0x3F000000, v28;
	v22 =	vmul.f32 v29, v14  }
0x22b: {  	v14 =	vmul.f32 v15, v23;
	v12 =	vmul.f32 $3.906250000e-03, v12;
	v15 =	vadd.f32 v24, v26  }
0x22c: {  	v19 =	vadd.f32 $4.006434440e+00, v19;
	v34 =	vadd.f32 $2.123313670e+00, v16;
	v21 =	vmul.f32 $3.906250000e-03, v21  }
0x22d: {  	v14 =	vadd.f32 $-3.145905440e-01, v14;
	v12 =	vmax.f32 v12, $0.0e+00;
	v16 =	vmul.f32 $3.906250000e-03, v15  }
0x22e: {  	v27 =	vadd.f32 $2.123313670e+00, v25;
	v15 =	vmin.f32 v12, $1.000000000e+00;
	v12 =	vmax.f32 v21, $0.0e+00  }
.Ltmp0:
0x22f: {  	v21 =	vmul.f32 v14, v23;
	v14 =	vmin.f32 v12, $1.000000000e+00;
	v12 =	vmax.f32 v16, $0.0e+00;
	(pc) =	sbr.rel @p0 .LBB2_2-.Ltmp0, $4  }
0x230: {  	v24 =	vmax.f32 v15, $9.999999970e-07;
	v25 =	vmax.f32 v14, $9.999999970e-07;
	v16 =	vmin.f32 v12, $1.000000000e+00  }
0x231: {  	v12 =	vmin.f32 v24, $9.999989860e-01;
	v21 =	vadd.f32 $4.969779250e-01, v21;
	v24 =	vmax.f32 v16, $9.999999970e-07  }
0x232: {  	v12 =	vadd.f32 v12, v12;
	v26 =	vmin.f32 v25, $9.999989860e-01;
	v24 =	vmin.f32 v24, $9.999989860e-01  }
0x233: {  	s13 =	sadd.s32 $0x40, s13;
	v25 =	vmul.f32 v21, v23;
	v21 =	vadd.f32 v26, v26;
	v24 =	vadd.f32 v24, v24  }
0x234: {  	_ = 	snop  }
0x235: {  	v20 =	vshra.s32 v20, $0x17;
	v25 =	vadd.f32 $-9.997924560e-01, v25  }
0x236: {  	v20 =	vadd.s32 $0xFFFFFF81, v20  }
0x237: {  	v20 =	vcvt.s32.f32 v20;
	v23 =	vmul.f32 v25, v23;
	_ =	sdelay $0x1  }
0x238: {  	v20 =	vmul.f32 $6.931471820e-01, v20;
	v23 =	vadd.f32 $-3.507552040e-06, v23;
	_ =	sdelay $0x1  }
0x239: {  	v23 =	vsub.f32 v23, v20;
	_ =	sdelay $0x1  }
0x23a: {  	v20 =	vmax.f32 v23, $1.000000010e-10  }
0x23b: {  	v60 =	vshra.s32 v20, $0x1;
	v26 =	vmul.f32 $5.000000000e-01, v20  }
0x23c: {  	v25 =	vsub.s32 $0x5F3759DF, v60  }
0x23d: {  	v28 =	vmul.f32 v25, v26;
	_ =	sdelay $0x1  }
0x23e: {  	v28 =	vmul.f32 v25, v28;
	_ =	sdelay $0x1  }
0x23f: {  	v28 =	vsub.f32 $1.500000000e+00, v28;
	_ =	sdelay $0x1  }
0x240: {  	v25 =	vmul.f32 v25, v28  }
0x241: {  	v12 =	vadd.f32 $-1.000000000e+00, v12  }
0x242: {  	v26 =	vmul.f32 v25, v26  }
0x243: {  	v29 =	vsub.f32 $1.000000000e+00, v12;
	v31 =	vadd.f32 $1.000000000e+00, v12  }
0x244: {  	v26 =	vmul.f32 v26, v25  }
0x245: {  	v29 =	vmul.f32 v31, v29  }
0x246: {  	v61 =	vadd.f32 $-2.500000000e+00, v23;
	v26 =	vsub.f32 $1.500000000e+00, v26  }
0x247: {  	v36 =	vand.u32 $0x7FFFFF, v29  }
0x248: {  	v43 =	vor.u32 $0x3F800000, v36;
	v62 =	vmul.f32 $3.974260210e-08, v61;
	v25 =	vmul.f32 v26, v25  }
0x249: {  	v31 =	vadd.f32 $-1.000000000e+00, v43  }
0x24a: {  	v38 =	vadd.f32 $4.854626350e-07, v62;
	v20 =	vmul.f32 v25, v20  }
0x24b: {  	v37 =	vmul.f32 $1.720806020e-02, v31  }
0x24c: {  	v63 =	vadd.f32 $-3.000000000e+00, v20;
	v20 =	vmul.f32 v38, v61  }
0x24d: {  	v37 =	vadd.f32 $-8.172681180e-02, v37  }
0x24e: {  	v21 =	vadd.f32 $-1.000000000e+00, v21;
	v20 =	vadd.f32 $-4.982822700e-06, v20  }
0x24f: {  	v37 =	vmul.f32 v37, v31  }
0x250: {  	v41 =	vsub.f32 $1.000000000e+00, v21;
	v30 =	vmul.f32 v20, v61;
	v20 =	vadd.f32 $-1.000000000e+00, v24  }
0x251: {  	v42 =	vadd.f32 $1.000000000e+00, v21;
	v37 =	vadd.f32 $1.887826770e-01, v37  }
0x252: {  	v32 =	vsub.f32 $1.000000000e+00, v20;
	v35 =	vadd.f32 $1.000000000e+00, v20  }
0x253: {  	v39 =	vmul.f32 $2.831457240e-04, v63;
	v40 =	vadd.f32 $-6.210528230e-06, v30;
	v30 =	vmul.f32 v42, v41  }
0x254: {  	v37 =	vmul.f32 v37, v31;
	v32 =	vmul.f32 v35, v32  }
0x255: {  	v25 =	vsub.f32 $1.427656530e-04, v39;
	v44 =	vand.u32 $0x7FFFFF, v30  }
0x256: {  	v37 =	vadd.f32 $-3.145905440e-01, v37;
	v35 =	vor.u32 $0x3F800000, v44;
	v45 =	vand.u32 $0x7FFFFF, v32  }
0x257: {  	v25 =	vmul.f32 v25, v63;
	v35 =	vadd.f32 $-1.000000000e+00, v35;
	v36 =	vor.u32 $0x3F800000, v45  }
0x258: {  	v48 =	vshra.s32 v29, $0x17;
	v36 =	vadd.f32 $-1.000000000e+00, v36  }
0x259: {  	v37 =	vmul.f32 v37, v31;
	v25 =	vadd.f32 $1.908259470e-03, v25;
	v38 =	vmul.f32 $1.720806020e-02, v35  }
0x25a: {  	v28 =	vadd.s32 $0xFFFFFF81, v48;
	v39 =	vmul.f32 $1.720806020e-02, v36  }
0x25b: {  	v37 =	vadd.f32 $4.969779250e-01, v37;
	v25 =	vmul.f32 v25, v63;
	v38 =	vadd.f32 $-8.172681180e-02, v38  }
0x25c: {  	v54 =	vsel vm1, v34, v33;
	v28 =	vcvt.s32.f32 v28;
	v39 =	vadd.f32 $-8.172681180e-02, v39  }
0x25d: {  	v37 =	vmul.f32 v37, v31;
	v25 =	vadd.f32 $-5.195012320e-03, v25;
	v38 =	vmul.f32 v38, v35  }
0x25e: {  	v18 =	vsel vm0, v27, v18;
	v24 =	vmul.f32 v40, v61;
	v39 =	vmul.f32 v39, v36  }
0x25f: {  	v37 =	vadd.f32 $-9.997924560e-01, v37;
	v25 =	vmul.f32 v25, v63;
	v38 =	vadd.f32 $1.887826770e-01, v38  }
0x260: {  	v28 =	vmul.f32 $6.931471820e-01, v28;
	v24 =	vadd.f32 $3.091200200e-04, v24;
	v39 =	vadd.f32 $1.887826770e-01, v39  }
0x261: {  	v31 =	vmul.f32 v37, v31;
	v25 =	vadd.f32 $8.116889740e-03, v25;
	v38 =	vmul.f32 v38, v35  }
0x262: {  	v22 =	vadd.f32 $2.123313670e+00, v22;
	v24 =	vmul.f32 v24, v61;
	v39 =	vmul.f32 v39, v36  }
0x263: {  	v31 =	vadd.f32 $-3.507552040e-06, v31;
	v25 =	vmul.f32 v25, v63;
	v38 =	vadd.f32 $-3.145905440e-01, v38  }
0x264: {  	vm11 =	vmmov vm2;
	v24 =	vadd.f32 $-1.773034920e-03, v24;
	v39 =	vadd.f32 $-3.145905440e-01, v39  }
0x265: {  	v28 =	vsub.f32 v31, v28;
	v25 =	vadd.f32 $-1.077978780e-02, v25;
	v46 =	vmul.f32 v38, v35  }
0x266: {  	vm10 =	vmmov vm3;
	v24 =	vmul.f32 v24, v61;
	v47 =	vmul.f32 v39, v36  }
0x267: {  	v51 =	vmax.f32 v28, $1.000000010e-10;
	v25 =	vmul.f32 v25, v63;
	v26 =	vadd.f32 $4.969779250e-01, v46  }
0x268: {  	v30 =	vshra.s32 v30, $0x17;
	v24 =	vadd.f32 $-5.908133930e-03, v24;
	v49 =	vadd.f32 $4.969779250e-01, v47  }
0x269: {  	v30 =	vadd.s32 $0xFFFFFF81, v30;
	v25 =	vadd.f32 $1.334857850e-02, v25;
	v26 =	vmul.f32 v26, v35  }
0x26a: {  	v32 =	vshra.s32 v32, $0x17;
	v24 =	vmul.f32 v24, v61;
	v29 =	vmul.f32 v49, v36  }
0x26b: {  	v30 =	vcvt.s32.f32 v30;
	v25 =	vmul.f32 v25, v63;
	v26 =	vadd.f32 $-9.997924560e-01, v26  }
0x26c: {  	v32 =	vadd.s32 $0xFFFFFF81, v32;
	v24 =	vadd.f32 $3.488026560e-01, v24;
	v29 =	vadd.f32 $-9.997924560e-01, v29  }
0x26d: {  	v32 =	vcvt.s32.f32 v32;
	v25 =	vadd.f32 $1.416581030e+00, v25;
	v26 =	vmul.f32 v26, v35  }
0x26e: {  	v52 =	vshra.s32 v51, $0x1;
	v24 =	vmul.f32 v24, v61;
	v29 =	vmul.f32 v29, v36  }
0x26f: {  	v30 =	vmul.f32 $6.931471820e-01, v30;
	v25 =	vmul.f32 v25, v63;
	v26 =	vadd.f32 $-3.507552040e-06, v26  }
0x270: {  	v50 =	vmul.f32 $6.931471820e-01, v32;
	v24 =	vadd.f32 $2.123313670e+00, v24;
	v29 =	vadd.f32 $-3.507552040e-06, v29  }
0x271: {  	v53 =	vmul.f32 $5.000000000e-01, v51;
	v25 =	vadd.f32 $4.006434440e+00, v25;
	v26 =	vsub.f32 v26, v30  }
0x272: {  	vm9 =	vlt.f32 v23, $5.000000000e+00;
	v23 =	vsub.s32 $0x5F3759DF, v52;
	v29 =	vsub.f32 v29, v50  }
0x273: {  	v55 =	vmul.f32 v23, v53;
	v24 =	vsel vm9, v24, v25;
	v56 =	vmax.f32 v26, $1.000000010e-10  }
0x274: {  	v57 =	vshra.s32 v56, $0x1;
	v58 =	vmul.f32 $5.000000000e-01, v56;
	v31 =	vmax.f32 v29, $1.000000010e-10  }
0x275: {  	v33 =	vsub.s32 $0x5F3759DF, v57;
	v59 =	vshra.s32 v31, $0x1;
	v60 =	vmul.f32 $5.000000000e-01, v31  }
0x276: {  	v25 =	vmul.f32 v23, v55;
	v61 =	vmul.f32 v33, v58;
	v36 =	vsub.s32 $0x5F3759DF, v59  }
0x277: {  	vm0 =	vmmov vm4;
	vm12 =	vge.f32 v13, $1.000000000e+00;
	v62 =	vmul.f32 v36, v60  }
0x278: {  	vm13 =	vle.f32 v13, $0.0e+00;
	v25 =	vsub.f32 $1.500000000e+00, v25;
	v63 =	vmul.f32 v33, v61  }
0x279: {  	vm14 =	vge.f32 v15, $1.000000000e+00;
	vm4 =	vge.f32 v14, $1.000000000e+00;
	v30 =	vmul.f32 v36, v62  }
0x27a: {  	vm1 =	vge.f32 v16, $1.000000000e+00;
	v23 =	vmul.f32 v23, v25;
	v25 =	vsub.f32 $1.500000000e+00, v63  }
0x27b: {  	v11 =	vmul.f32 v54, v11;
	v18 =	vmul.f32 v18, v10;
	v38 =	vsub.f32 $1.500000000e+00, v30  }
0x27c: {  	vm3 =	vle.f32 v15, $0.0e+00;
	v17 =	vmul.f32 v24, v17;
	v25 =	vmul.f32 v33, v25  }
0x27d: {  	vm2 =	vle.f32 v16, $0.0e+00;
	v39 =	vmul.f32 v23, v53;
	v13 =	vmul.f32 v36, v38  }
0x27e: {  	vm14 =	vmmov vm14;
	vm4 =	vmmov vm4;
	v41 =	vmul.f32 v25, v58  }
0x27f: {  	v17 =	vsel vm12, $0x42C80000, v17;
	v42 =	vmul.f32 v39, v23;
	v43 =	vmul.f32 v13, v60  }
0x280: {  	v19 =	vsel vm5, v22, v19;
	v40 =	vsel vm13, $0xC2C80000, v17;
	v17 =	vmul.f32 v41, v25  }
0x281: {  	v9 =	vmul.f32 v19, v9;
	v19 =	vsub.f32 $1.500000000e+00, v42;
	v22 =	vmul.f32 v43, v13  }
0x282: {  	vm1 =	vmmov vm1;
	vm3 =	vmmov vm3;
	v44 =	vsub.f32 $1.500000000e+00, v17  }
0x283: {  	vm5 =	vle.f32 v14, $0.0e+00;
	v45 =	vmul.f32 v19, v23;
	v46 =	vsub.f32 $1.500000000e+00, v22  }
0x284: {  	v11 =	vsel vm6, $0x42C80000, v11;
	v18 =	vsel vm7, $0x42C80000, v18;
	v47 =	vmul.f32 v44, v25  }
0x285: {  	v49 =	vadd.f32 $-2.500000000e+00, v28;
	v48 =	vmul.f32 v45, v51;
	v13 =	vmul.f32 v46, v13  }
0x286: {  	vm15 =	vlt.f32 v28, $5.000000000e+00;
	v50 =	vadd.f32 $-2.500000000e+00, v26;
	v14 =	vmul.f32 v47, v56  }
0x287: {  	v52 =	vmul.f32 $3.974260210e-08, v49;
	v15 =	vadd.f32 $-3.000000000e+00, v48;
	v13 =	vmul.f32 v13, v31  }
0x288: {  	v53 =	vmul.f32 $3.974260210e-08, v50;
	v51 =	vadd.f32 $-2.500000000e+00, v29;
	v14 =	vadd.f32 $-3.000000000e+00, v14  }
0x289: {  	vm12 =	vlt.f32 v26, $5.000000000e+00;
	v54 =	vmul.f32 $2.831457240e-04, v15;
	v13 =	vadd.f32 $-3.000000000e+00, v13  }
0x28a: {  	v23 =	vadd.f32 $4.854626350e-07, v53;
	v55 =	vmul.f32 $3.974260210e-08, v51;
	v56 =	vmul.f32 $2.831457240e-04, v14  }
0x28b: {  	v24 =	vsub.f32 $1.427656530e-04, v54;
	v22 =	vadd.f32 $4.854626350e-07, v52;
	v57 =	vmul.f32 $2.831457240e-04, v13  }
0x28c: {  	v23 =	vmul.f32 v23, v50;
	v25 =	vadd.f32 $4.854626350e-07, v55;
	v27 =	vsub.f32 $1.427656530e-04, v56  }
0x28d: {  	v24 =	vmul.f32 v24, v15;
	v22 =	vmul.f32 v22, v49;
	v28 =	vsub.f32 $1.427656530e-04, v57  }
0x28e: {  	v23 =	vadd.f32 $-4.982822700e-06, v23;
	v25 =	vmul.f32 v25, v51;
	v27 =	vmul.f32 v27, v14  }
0x28f: {  	v24 =	vadd.f32 $1.908259470e-03, v24;
	v22 =	vadd.f32 $-4.982822700e-06, v22;
	v28 =	vmul.f32 v28, v13  }
0x290: {  	v23 =	vmul.f32 v23, v50;
	v25 =	vadd.f32 $-4.982822700e-06, v25;
	v27 =	vadd.f32 $1.908259470e-03, v27  }
0x291: {  	v24 =	vmul.f32 v24, v15;
	v22 =	vmul.f32 v22, v49;
	v28 =	vadd.f32 $1.908259470e-03, v28  }
0x292: {  	v23 =	vadd.f32 $-6.210528230e-06, v23;
	v25 =	vmul.f32 v25, v51;
	v27 =	vmul.f32 v27, v14  }
0x293: {  	v24 =	vadd.f32 $-5.195012320e-03, v24;
	v22 =	vadd.f32 $-6.210528230e-06, v22;
	v28 =	vmul.f32 v28, v13  }
0x294: {  	v23 =	vmul.f32 v23, v50;
	v25 =	vadd.f32 $-6.210528230e-06, v25;
	v27 =	vadd.f32 $-5.195012320e-03, v27  }
0x295: {  	v24 =	vmul.f32 v24, v15;
	v22 =	vmul.f32 v22, v49;
	v28 =	vadd.f32 $-5.195012320e-03, v28  }
0x296: {  	v23 =	vadd.f32 $3.091200200e-04, v23;
	v25 =	vmul.f32 v25, v51;
	v58 =	vmul.f32 v27, v14  }
0x297: {  	v24 =	vadd.f32 $8.116889740e-03, v24;
	v22 =	vadd.f32 $3.091200200e-04, v22;
	v59 =	vmul.f32 v28, v13  }
0x298: {  	v23 =	vmul.f32 v23, v50;
	v25 =	vadd.f32 $3.091200200e-04, v25;
	v26 =	vadd.f32 $8.116889740e-03, v58  }
0x299: {  	v24 =	vmul.f32 v24, v15;
	v22 =	vmul.f32 v22, v49;
	v27 =	vadd.f32 $8.116889740e-03, v59  }
0x29a: {  	v23 =	vadd.f32 $-1.773034920e-03, v23;
	v25 =	vmul.f32 v25, v51;
	v26 =	vmul.f32 v26, v14  }
0x29b: {  	v24 =	vadd.f32 $-1.077978780e-02, v24;
	v22 =	vadd.f32 $-1.773034920e-03, v22;
	v27 =	vmul.f32 v27, v13  }
0x29c: {  	v23 =	vmul.f32 v23, v50;
	v25 =	vadd.f32 $-1.773034920e-03, v25;
	v26 =	vadd.f32 $-1.077978780e-02, v26  }
0x29d: {  	v24 =	vmul.f32 v24, v15;
	v22 =	vmul.f32 v22, v49;
	v27 =	vadd.f32 $-1.077978780e-02, v27  }
0x29e: {  	v23 =	vadd.f32 $-5.908133930e-03, v23;
	v25 =	vmul.f32 v25, v51;
	v26 =	vmul.f32 v26, v14  }
0x29f: {  	v24 =	vadd.f32 $1.334857850e-02, v24;
	v22 =	vadd.f32 $-5.908133930e-03, v22;
	v27 =	vmul.f32 v27, v13  }
0x2a0: {  	v23 =	vmul.f32 v23, v50;
	v25 =	vadd.f32 $-5.908133930e-03, v25;
	v26 =	vadd.f32 $1.334857850e-02, v26  }
0x2a1: {  	v24 =	vmul.f32 v24, v15;
	v22 =	vmul.f32 v22, v49;
	v27 =	vadd.f32 $1.334857850e-02, v27  }
0x2a2: {  	v23 =	vadd.f32 $3.488026560e-01, v23;
	v25 =	vmul.f32 v25, v51;
	v26 =	vmul.f32 v26, v14  }
0x2a3: {  	v24 =	vadd.f32 $1.416581030e+00, v24;
	v22 =	vadd.f32 $3.488026560e-01, v22;
	v27 =	vmul.f32 v27, v13  }
0x2a4: {  	v17 =	vmul.f32 v23, v50;
	v60 =	vadd.f32 $3.488026560e-01, v25;
	v26 =	vadd.f32 $1.416581030e+00, v26  }
0x2a5: {  	v15 =	vmul.f32 v24, v15;
	v16 =	vmul.f32 v22, v49;
	v27 =	vadd.f32 $1.416581030e+00, v27  }
0x2a6: {  	v11 =	vsel vm11, $0xC2C80000, v11;
	v19 =	vmul.f32 v60, v51;
	v14 =	vmul.f32 v26, v14  }
0x2a7: {  	v15 =	vadd.f32 $4.006434440e+00, v15;
	v16 =	vadd.f32 $2.123313670e+00, v16;
	v13 =	vmul.f32 v27, v13  }
0x2a8: {  	v18 =	vsel vm10, $0xC2C80000, v18;
	v17 =	vadd.f32 $2.123313670e+00, v17;
	v14 =	vadd.f32 $4.006434440e+00, v14  }
0x2a9: {  	v19 =	vadd.f32 $2.123313670e+00, v19;
	v15 =	vsel vm15, v16, v15;
	v13 =	vadd.f32 $4.006434440e+00, v13  }
0x2aa: {  	[tilespmem:v2+s10+$0x0] =	vst.idx.msk $0xffff, v11;
	vm13 =	vlt.f32 v29, $5.000000000e+00;
	v62 =	vmul.f32 v15, v12;
	v61 =	vsel vm12, v17, v14  }
0x2ab: {  	v9 =	vsel vm8, $0x42C80000, v9;
	[tilespmem:v5+s10+$0x0] =	vst.idx.msk $0xffff, v40;
	v5 =	vmul.f32 v61, v21;
	v2 =	vsel vm13, v19, v13  }
0x2ac: {  	[tilespmem:v3+s10+$0x0] =	vst.idx.msk $0xffff, v18;
	v9 =	vsel vm0, $0xC2C80000, v9;
	v3 =	vsel vm14, $0x42C80000, v62;
	v2 =	vmul.f32 v2, v20  }
0x2ad: {  	[tilespmem:v4+s10+$0x0] =	vst.idx.msk $0xffff, v9;
	vm15 =	vmmov vm5;
	v3 =	vsel vm3, $0xC2C80000, v3;
	v63 =	vsel vm4, $0x42C80000, v5  }
0x2ae: {  	s11 =	sadd.s32 $0x1, s11;
	vm2 =	vmmov vm2;
	[tilespmem:v7+s10+$0x0] =	vst.idx.msk $0xffff, v3;
	v3 =	vsel vm15, $0xC2C80000, v63;
	v2 =	vsel vm1, $0x42C80000, v2  }
0x2af: {  	p0 =	sne.s32 s11, s6;
	[tilespmem:v8+s10+$0x0] =	vst.idx.msk $0xffff, v3;
	v2 =	vsel vm2, $0xC2C80000, v2  }
.Ltmp1:
0x2b0: {  	[tilespmem:v6+s10+$0x0] =	vst.idx.msk $0xffff, v2;
	(pc) =	sbr.rel @p0 .LBB2_1-.Ltmp1, $4  }
0x2b1: {  	[hbm4b:s5+s8] =	stream.strided.scatter [tilespmem:s10], [sflag:$0x1], $0x4000, s9, s8, $0x38;
	[tilespmem:$0x5A80] =	vst v63  }
0x2b2: {  	_ =	swait.ge [sflag:s7], $0x4000  }
0x2b3: {  	[sflag:s7] =	ssyncset.done $0x0  }
0x2b4: {  	[sflag:s7] =	ssyncadd.s32 $0xFFFFC000  }
0x2b5: {  	_ =	sfence.sel $0x180000  }
0x2b6: {  	[bflag:$0x0] =	sbarrier.arrive $0xFFFF  }
0x2b7: {  	p0 =	sne.s32 s1, $0x0;
	_ =	strace $0x90000047  }
0x2b8: {  	s0 =	sadd.s32 @!p0 $0x100000, s0;
	[bflag:$0x2] =	sbarrier.arrive $0xFFFF  }
0x2b9: {  	[sflag:s0] =	ssyncadd.tile.s32 @!p0 $0x1;
	_ =	shalt  }
.Lfunc_end2:
_tile_overlayer_lowered:
.L_overlay_start_2:
0x2ba: {  	(tag) =	ssettag $0x2  }
0x2bb: {  	s0 =	rddreg [dreg:$0x0];
	s2 =	stileid.u32  }
0x2bc: {  	s1 =	rddreg [dreg:$0x1];
	p0 =	sne.s32 s2, $0x0  }
0x2bd: {  	s3 =	rddreg [dreg:$0x2];
	[bflag:$0x3] =	sbarrier.arrive $0xFFFF;
	s2 =	simm.s32 @!p0 $0x1C01  }
0x2be: {  	[timem:s3], [sflag:s2] =	dma.local @!p0 [hbm:s0], s1  }
0x2bf: {  	s0 =	simm.s32 @!p0 $0x1  }
0x2c0: {  	_ =	swait.ge @!p0 [sflag:s0], s1  }
0x2c1: {  	s1 =	ssub.s32 @!p0 $0x0, s1;
	[sflag:s0] =	ssyncset.done @!p0 $0x0  }
0x2c2: {  	[sflag:s0] =	ssyncadd.s32 @!p0 s1  }
0x2c3: {  	[bflag:$0x3] =	sbarrier.arrive $0xFFFF  }
0x2c4: {  	_ =	shalt  }

</sc_bundles>
